<compile_context>
chip_gen: v7x
topology: tpu7x:2x2x1
jax: 0.10.2.dev20260603
libtpu: 0.0.44.dev20260713+nightly
codegen_flags: <defaults>
</compile_context>

<pallas_src>
import functools

import jax
import jax.numpy as jnp
from jax import lax
from jax.experimental import pallas as pl
from jax.experimental.pallas import tpu as pltpu
from jax.experimental.pallas import tpu_sc as plsc

B, L = 16, 64
D, H = 128, 256
NE, NA = 34, 36
BL = B * L
LANES = 128
F32 = jnp.float32


def _make_sc_gather(V):
  info = plsc.get_sparse_core_info()
  NW = info.num_cores * info.num_subcores
  b_per_w = BL // NW
  mesh = plsc.VectorSubcoreMesh(core_axis_name="c", subcore_axis_name="s")

  @functools.partial(
      pl.kernel, mesh=mesh,
      out_type=jax.ShapeDtypeStruct((BL, D), F32),
      scratch_types=[
          pltpu.VMEM((b_per_w,), jnp.int32),
          pltpu.VMEM((b_per_w, D), F32),
          pltpu.SemaphoreType.DMA,
      ],
  )
  def gather_k(table_hbm, idx_hbm, out_hbm, idx_v, rows_v, sem):
    wid = lax.axis_index("s") * info.num_cores + lax.axis_index("c")
    base = wid * b_per_w
    pltpu.sync_copy(idx_hbm.at[pl.ds(base, b_per_w)], idx_v)
    pltpu.async_copy(table_hbm.at[idx_v], rows_v, sem).wait()
    pltpu.sync_copy(rows_v, out_hbm.at[pl.ds(base, b_per_w)])

  return gather_k


_SC_GATHER = None


def _sc_gather(emb, ids):
  global _SC_GATHER
  if _SC_GATHER is None:
    _SC_GATHER = _make_sc_gather(emb.shape[0])
  return _SC_GATHER(emb, ids)


def _lstm_body(x_ref, wi_ref, whf, whb, bif, bhf, bib, bhb, wheads_ref,
               be, ev_ref, meta_ref, hsc_ref, trig_ref, gi_s, hs_s):
  x = x_ref[...]
  gi_s[...] = jnp.dot(x, wi_ref[...], preferred_element_type=F32)
  whf_v = whf[...]
  whb_v = whb[...]
  bif_v, bhf_v, bib_v, bhb_v = bif[...], bhf[...], bib[...], bhb[...]

  def step(t, carry):
    hf, cf, hb, cb = carry
    gf = ((gi_s[pl.ds(t * B, B), 0:4 * H]
           + jnp.dot(hf, whf_v, preferred_element_type=F32)) + bif_v) + bhf_v
    cf = jax.nn.sigmoid(gf[:, H:2 * H]) * cf + \
        jax.nn.sigmoid(gf[:, :H]) * jnp.tanh(gf[:, 2 * H:3 * H])
    hf = jax.nn.sigmoid(gf[:, 3 * H:]) * jnp.tanh(cf)
    hs_s[pl.ds(t * B, B), 0:H] = hf
    tb = (L - 1) - t
    gb = ((gi_s[pl.ds(tb * B, B), 4 * H:8 * H]
           + jnp.dot(hb, whb_v, preferred_element_type=F32)) + bib_v) + bhb_v
    cb = jax.nn.sigmoid(gb[:, H:2 * H]) * cb + \
        jax.nn.sigmoid(gb[:, :H]) * jnp.tanh(gb[:, 2 * H:3 * H])
    hb = jax.nn.sigmoid(gb[:, 3 * H:]) * jnp.tanh(cb)
    hs_s[pl.ds(tb * B, B), H:2 * H] = hb
    return hf, cf, hb, cb

  z = jnp.zeros((B, H), F32)
  lax.fori_loop(0, L, step, (z, z, z, z))
  hs = hs_s[...]
  heads = jnp.dot(hs, wheads_ref[...], preferred_element_type=F32)
  ev = heads[:, 0:LANES] + be[...]
  ev_ref[...] = ev[:, :NE]
  lane = lax.broadcasted_iota(jnp.int32, (BL, LANES), 1)
  evm = jnp.where(lane < NE, ev, -jnp.inf)
  mx = jnp.max(evm, axis=1, keepdims=True)
  idx = jnp.min(jnp.where(evm == mx, lane, LANES), axis=1, keepdims=True)
  mb = idx > 0
  colp = jnp.clip(idx - 1, 0, NE - 2) + (NA - 1)
  meta_ref[...] = (mb & ((lane == colp) | (lane == 120))).astype(F32)
  hsc_ref[...] = heads[:, LANES:2 * LANES]
  trig_ref[...] = heads[:, 2 * LANES:3 * LANES]


_LSTM_KW = dict(
    out_shape=[
        jax.ShapeDtypeStruct((BL, NE), F32),
        jax.ShapeDtypeStruct((BL, LANES), F32),
        jax.ShapeDtypeStruct((BL, LANES), F32),
        jax.ShapeDtypeStruct((BL, LANES), F32),
    ],
    scratch_shapes=[
        pltpu.VMEM((BL, 8 * H), F32),
        pltpu.VMEM((BL, 2 * H), F32),
    ],
)


KSTEP = 8


def _dec_body(hsc_ref, trig_ref, pay_ref, wg_ref, ba_ref, out_ref, g_s):
  i = pl.program_id(0)

  @pl.when(i == 0)
  def _init():
    g_s[...] = jnp.zeros((B, L, LANES), F32)

  g = g_s[...]
  hsc = hsc_ref[...]
  ba = ba_ref[...].reshape(1, 1, LANES)
  wg = wg_ref[...]
  lane_f = lax.broadcasted_iota(jnp.int32, (B, L, LANES), 2).astype(F32)
  for k in range(KSTEP):
    gc = jnp.dot(g.reshape(BL, LANES), wg,
                 preferred_element_type=F32).reshape(B, L, LANES)
    trig = trig_ref[k].reshape(B, 1, LANES)
    pay = pay_ref[k].reshape(B, 1, LANES)
    logits = ((hsc + trig) + gc) + ba
    out_ref[:, k] = logits[:, :, :NA]
    mxv = jnp.max(logits, axis=2, keepdims=True)
    apf = jnp.min(jnp.where(logits == mxv, lane_f, 128.0),
                  axis=2, keepdims=True)
    upd = (apf > 0.5) & (
        ((pay[:, :, 120:121] > 0.5) & (lane_f == (apf - 1.0))) | (pay > 0.5))
    g = jnp.where(upd, 1.0, g)
  g_s[...] = g


_DEC_KW = dict(
    grid=(L // KSTEP,),
    in_specs=[
        pl.BlockSpec((B, L, LANES), lambda i: (0, 0, 0)),
        pl.BlockSpec((KSTEP, B, 1, LANES), lambda i: (i, 0, 0, 0)),
        pl.BlockSpec((KSTEP, B, 1, LANES), lambda i: (i, 0, 0, 0)),
        pl.BlockSpec((LANES, LANES), lambda i: (0, 0)),
        pl.BlockSpec((1, LANES), lambda i: (0, 0)),
    ],
    out_specs=pl.BlockSpec((B, KSTEP, L, NA), lambda i: (0, i, 0, 0)),
    out_shape=jax.ShapeDtypeStruct((B, L, L, NA), F32),
    scratch_shapes=[pltpu.VMEM((B, L, LANES), F32)],
    compiler_params=pltpu.CompilerParams(dimension_semantics=("arbitrary",)),
)


def _pad_cols(w, cols):
  return jnp.zeros((w.shape[0], cols), F32).at[:, :w.shape[1]].set(w)


def kernel(input_ids, emb, W_ih_f, W_hh_f, b_ih_f, b_hh_f, W_ih_b, W_hh_b,
           b_ih_b, b_hh_b, W_e, b_e, W_a, b_a):
  ids_t = input_ids.astype(jnp.int32).T.reshape(BL)
  x = _sc_gather(emb, ids_t)

  bif = b_ih_f.reshape(1, 4 * H)
  bhf = b_hh_f.reshape(1, 4 * H)
  bib = b_ih_b.reshape(1, 4 * H)
  bhb = b_hh_b.reshape(1, 4 * H)
  wi_cat = jnp.concatenate([W_ih_f, W_ih_b], axis=0).T
  zrow = jnp.zeros((LANES - NE, 2 * H), F32)
  zrow2 = jnp.zeros((LANES - NA, 2 * H), F32)
  wheads = jnp.concatenate([
      W_e, zrow,
      W_a[:, :2 * H], zrow2,
      W_a[:, 2 * H:4 * H], zrow2], axis=0).T
  be = _pad_cols(b_e.reshape(1, NE), LANES)
  wg = jnp.zeros((LANES, LANES), F32)
  wg = wg.at[:NA - 1, :NA].set(W_a[:, 4 * H:4 * H + NA - 1].T)
  wg = wg.at[NA - 1:NA - 1 + NE - 1, :NA].set(W_a[:, 4 * H + NA - 1:].T)

  ev_t, pay_t, hsc_t, trig_t = pl.pallas_call(_lstm_body, **_LSTM_KW)(
      x, wi_cat, W_hh_f.T, W_hh_b.T, bif, bhf, bib, bhb, wheads, be)

  event_logits = ev_t.reshape(L, B, NE).transpose(1, 0, 2)
  hsc3 = hsc_t.reshape(L, B, LANES).transpose(1, 0, 2)
  trig4 = trig_t.reshape(L, B, 1, LANES)
  pay4 = pay_t.reshape(L, B, 1, LANES)
  ba_dec = jnp.concatenate(
      [b_a.astype(F32), jnp.full((LANES - NA,), -1e30, F32)]).reshape(1, LANES)

  arg_logits = pl.pallas_call(_dec_body, **_DEC_KW)(hsc3, trig4, pay4, wg, ba_dec)
  return event_logits, arg_logits

# --- scband reference (transcript-rebuilt; emitter-appended) ---
"""Pipeline reference for scband-joint-sentence-bi-lstm12-81114752352621 (READ-ONLY COPY).

The authoritative reference and input builder live on the scoring server;
editing this copy changes nothing except your own understanding.
"""

import jax, jax.numpy as jnp
import numpy as np

B, L = 16, 64
V, D, H = 100000, 128, 256
NE, NA = 34, 36
AIN = 4 * H + (NA - 1) + (NE - 1)


def setup_inputs(seed: int = 0) -> dict:
    key = jax.random.key(seed)
    ks = jax.random.split(key, 16)
    s = 1.0 / np.sqrt(H)

    def u(k, shape, sc):
        return jax.random.uniform(k, shape, minval=-sc, maxval=sc, dtype=jnp.float32)

    inp = {}
    inp["input_ids"] = jax.random.randint(ks[0], (B, L), 0, V)
    inp["emb"] = jax.random.normal(ks[1], (V, D), dtype=jnp.float32)
    inp["W_ih_f"] = u(ks[2], (4 * H, D), s)
    inp["W_hh_f"] = u(ks[3], (4 * H, H), s)
    inp["b_ih_f"] = u(ks[4], (4 * H,), s)
    inp["b_hh_f"] = u(ks[5], (4 * H,), s)
    inp["W_ih_b"] = u(ks[6], (4 * H, D), s)
    inp["W_hh_b"] = u(ks[7], (4 * H, H), s)
    inp["b_ih_b"] = u(ks[8], (4 * H,), s)
    inp["b_hh_b"] = u(ks[9], (4 * H,), s)
    se = 1.0 / np.sqrt(2 * H)
    inp["W_e"] = u(ks[10], (NE, 2 * H), se)
    inp["b_e"] = u(ks[11], (NE,), se)
    sa = 1.0 / np.sqrt(AIN)
    inp["W_a"] = u(ks[12], (NA, AIN), sa)
    inp["b_a"] = u(ks[13], (NA,), sa)
    return inp


def _lstm_dir(x, Wi, Wh, bi, bh, reverse):
    Bc, Lc, _ = x.shape
    h = jnp.zeros((Bc, H), dtype=x.dtype)
    c = jnp.zeros((Bc, H), dtype=x.dtype)
    hs = []
    ts = range(Lc - 1, -1, -1) if reverse else range(Lc)
    for t in ts:
        g = x[:, t] @ Wi.T + h @ Wh.T + bi + bh
        i_ = jax.nn.sigmoid(g[:, :H])
        f_ = jax.nn.sigmoid(g[:, H:2 * H])
        g_ = jnp.tanh(g[:, 2 * H:3 * H])
        o_ = jax.nn.sigmoid(g[:, 3 * H:])
        c = f_ * c + i_ * g_
        h = o_ * jnp.tanh(c)
        hs.append(h)
    if reverse:
        hs = hs[::-1]
    return jnp.stack(hs, axis=1)


def _forward(input_ids, emb, W_ih_f, W_hh_f, b_ih_f, b_hh_f, W_ih_b, W_hh_b, b_ih_b, b_hh_b, W_e, b_e, W_a, b_a):
    # embedding gather
    x = jnp.take(emb, input_ids, axis=0)  # [B, L, D]
    hf = _lstm_dir(x, W_ih_f, W_hh_f, b_ih_f, b_hh_f, False)
    hb = _lstm_dir(x, W_ih_b, W_hh_b, b_ih_b, b_hh_b, True)
    hidden_states = jnp.concatenate([hf, hb], axis=-1)  # [B, L, 2H]
    # dropout layers act as identity (eval mode)
    g_trg_arg = jnp.zeros((B, L, NE - 1), dtype=jnp.float32)
    g_arg = jnp.zeros((B, L, NA - 1), dtype=jnp.float32)
    ev_list = []
    ar_list = []
    for i in range(L):
        trig = hidden_states[:, i]  # [B, 2H]
        event_logit = trig @ W_e.T + b_e  # [B, NE]
        ev_list.append(event_logit)
        event_pred = jnp.argmax(event_logit, axis=-1)  # [B]
        trig_s = jnp.broadcast_to(trig[:, None, :], (B, L, 2 * H))
        arg_hidden = jnp.concatenate([hidden_states, trig_s, g_arg, g_trg_arg], axis=2)
        arg_logits = arg_hidden @ W_a.T + b_a  # [B, L, NA]
        ar_list.append(arg_logits)
        arg_preds = jnp.argmax(arg_logits, axis=-1)  # [B, L]
        # update_g_trg_arg: for batches with event_pred>0, column (event_pred-1)
        # set to 1 at positions where arg_preds>0, else keep old value.
        mb = event_pred > 0  # [B]
        col = jnp.clip(event_pred - 1, 0, NE - 2)
        ohc = jax.nn.one_hot(col, NE - 1, dtype=jnp.float32) > 0.5  # [B, NE-1]
        app = arg_preds > 0  # [B, L]
        m1 = mb[:, None, None] & app[:, :, None] & ohc[:, None, :]
        g_trg_arg = jnp.where(m1, 1.0, g_trg_arg)
        # update_g_arg: scatter 1 into g_arg[b, j, arg_preds[b,j]-1] where
        # arg_preds[b,j]>0 and event_pred[b]>0.
        oha = jax.nn.one_hot(jnp.clip(arg_preds - 1, 0, NA - 2), NA - 1, dtype=jnp.float32) > 0.5  # [B, L, NA-1]
        m2 = mb[:, None, None] & app[:, :, None] & oha
        g_arg = jnp.where(m2, 1.0, g_arg)
    event_logits = jnp.stack(ev_list, axis=1)        # [B, L, NE]
    arguments_logits = jnp.stack(ar_list, axis=1)    # [B, L, L, NA]
    return event_logits, arguments_logits


def reference(input_ids, emb, W_ih_f, W_hh_f, b_ih_f, b_hh_f, W_ih_b, W_hh_b, b_ih_b, b_hh_b, W_e, b_e, W_a, b_a):
    return _forward(input_ids, emb, W_ih_f, W_hh_f, b_ih_f, b_hh_f, W_ih_b, W_hh_b, b_ih_b, b_hh_b, W_e, b_e, W_a, b_a)

if __name__ == "__main__":
    import jax
    _d = setup_inputs()
    print(jax.jit(kernel)(*tuple(_d.values())))

</pallas_src>

<mosaic_0001>
#map = affine_map<(d0, d1) -> (0, 0)>
#map1 = affine_map<(d0, d1) -> (0)>
module attributes {stable_mosaic.version = 14 : i64} {
  func.func @gather_k(%arg0: i32, %arg1: i32, %arg2: memref<100000x128xf32, #tpu.memory_space<hbm>>, %arg3: memref<1024xi32, #tpu.memory_space<hbm>>, %arg4: memref<1024x128xf32, #tpu.memory_space<hbm>>, %arg5: memref<32xi32, #tpu.memory_space<vmem>>, %arg6: memref<32x128xf32, #tpu.memory_space<vmem>>, %arg7: memref<!tpu.dma_semaphore, #tpu.memory_space<semaphore_mem>>) attributes {dimension_semantics = [#tpu.dimension_semantics<core_parallel>, #tpu.dimension_semantics<subcore_parallel>], iteration_bounds = array<i64: 2, 16>, scalar_prefetch = 0 : i64, scratch_operands = 3 : i64, tpu.core_type = #tpu.core_type<sc_vector_subcore>, window_params = [{transform_indices = #map}, {transform_indices = #map1}, {transform_indices = #map}]} {
    %mul3A = arith.constant 2 : i32
    %mul3A_0 = arith.muli %arg1, %mul3A : i32
    %add3A = arith.addi %mul3A_0, %arg0 : i32
    %mul3A_1 = arith.constant 32 : i32
    %mul3A_2 = arith.muli %add3A, %mul3A_1 : i32
    "tpu.region"() ({
      %run_scoped3A = tpu.sem_alloc : memref<!tpu.dma_semaphore, #tpu.memory_space<semaphore_mem>>
      %dma_start3A_7 = tpu.memref_slice %arg3[%mul3A_2] : memref<1024xi32, #tpu.memory_space<hbm>> -> memref<32xi32, #tpu.memory_space<hbm>>
      %dma_start3A_8 = tpu.memref_slice %arg3[%mul3A_2] : memref<1024xi32, #tpu.memory_space<hbm>> -> memref<32xi32, #tpu.memory_space<hbm>>
      tpu.enqueue_dma source(%dma_start3A_8 : memref<32xi32, #tpu.memory_space<hbm>>) target(%arg5 : memref<32xi32, #tpu.memory_space<vmem>>) target_semaphore(%run_scoped3A : memref<!tpu.dma_semaphore, #tpu.memory_space<semaphore_mem>>)
      %dma_wait3A_9 = tpu.memref_slice %arg3[%mul3A_2] : memref<1024xi32, #tpu.memory_space<hbm>> -> memref<32xi32, #tpu.memory_space<hbm>>
      %dma_wait3A_10 = tpu.memref_slice %arg3[%mul3A_2] : memref<1024xi32, #tpu.memory_space<hbm>> -> memref<32xi32, #tpu.memory_space<hbm>>
      tpu.wait_dma2 semaphore(%run_scoped3A : memref<!tpu.dma_semaphore, #tpu.memory_space<semaphore_mem>>) src(%dma_wait3A_10 : memref<32xi32, #tpu.memory_space<hbm>>) dst(%arg5 : memref<32xi32, #tpu.memory_space<vmem>>)
      tpu.yield
    }) : () -> ()
    %dma_start3A = arith.constant 0 : i32
    %dma_start3A_3 = arith.constant 0 : i32
    %dma_start3A_4 = tpu.memref_slice %arg2[%dma_start3A, %dma_start3A_3] : memref<100000x128xf32, #tpu.memory_space<hbm>> -> memref<100000x128xf32, #tpu.memory_space<hbm>>
    tpu.enqueue_indirect_dma source(%dma_start3A_4 : memref<100000x128xf32, #tpu.memory_space<hbm>>) target(%arg6 : memref<32x128xf32, #tpu.memory_space<vmem>>) offsets(%arg5 : memref<32xi32, #tpu.memory_space<vmem>>) semaphore(%arg7 : memref<!tpu.dma_semaphore, #tpu.memory_space<semaphore_mem>>)
    %dma_wait3A = arith.constant 0 : i32
    %dma_wait3A_5 = arith.constant 0 : i32
    %dma_wait3A_6 = tpu.memref_slice %arg2[%dma_wait3A, %dma_wait3A_5] : memref<100000x128xf32, #tpu.memory_space<hbm>> -> memref<100000x128xf32, #tpu.memory_space<hbm>>
    tpu.wait_indirect_dma semaphore(%arg7 : memref<!tpu.dma_semaphore, #tpu.memory_space<semaphore_mem>>) src(%dma_wait3A_6 : memref<100000x128xf32, #tpu.memory_space<hbm>>) dst(%arg6 : memref<32x128xf32, #tpu.memory_space<vmem>>)
    "tpu.region"() ({
      %run_scoped3A = tpu.sem_alloc : memref<!tpu.dma_semaphore, #tpu.memory_space<semaphore_mem>>
      %dma_start3A_7 = arith.constant 0 : i32
      %dma_start3A_8 = tpu.memref_slice %arg4[%mul3A_2, %dma_start3A_7] : memref<1024x128xf32, #tpu.memory_space<hbm>> -> memref<32x128xf32, #tpu.memory_space<hbm>>
      %dma_start3A_9 = arith.constant 0 : i32
      %dma_start3A_10 = tpu.memref_slice %arg4[%mul3A_2, %dma_start3A_9] : memref<1024x128xf32, #tpu.memory_space<hbm>> -> memref<32x128xf32, #tpu.memory_space<hbm>>
      tpu.enqueue_dma source(%arg6 : memref<32x128xf32, #tpu.memory_space<vmem>>) target(%dma_start3A_10 : memref<32x128xf32, #tpu.memory_space<hbm>>) target_semaphore(%run_scoped3A : memref<!tpu.dma_semaphore, #tpu.memory_space<semaphore_mem>>)
      %dma_wait3A_11 = arith.constant 0 : i32
      %dma_wait3A_12 = tpu.memref_slice %arg4[%mul3A_2, %dma_wait3A_11] : memref<1024x128xf32, #tpu.memory_space<hbm>> -> memref<32x128xf32, #tpu.memory_space<hbm>>
      %dma_wait3A_13 = arith.constant 0 : i32
      %dma_wait3A_14 = tpu.memref_slice %arg4[%mul3A_2, %dma_wait3A_13] : memref<1024x128xf32, #tpu.memory_space<hbm>> -> memref<32x128xf32, #tpu.memory_space<hbm>>
      tpu.wait_dma2 semaphore(%run_scoped3A : memref<!tpu.dma_semaphore, #tpu.memory_space<semaphore_mem>>) src(%arg6 : memref<32x128xf32, #tpu.memory_space<vmem>>) dst(%dma_wait3A_14 : memref<32x128xf32, #tpu.memory_space<hbm>>)
      tpu.yield
    }) : () -> ()
    return
  }
}

module attributes {stable_mosaic.version = 14 : i64} {
  func.func @_lstm_body(%arg0: memref<1024x128xf32, #tpu.memory_space<vmem>>, %arg1: memref<128x2048xf32, #tpu.memory_space<vmem>>, %arg2: memref<256x1024xf32, #tpu.memory_space<vmem>>, %arg3: memref<256x1024xf32, #tpu.memory_space<vmem>>, %arg4: memref<1x1024xf32, #tpu.memory_space<vmem>>, %arg5: memref<1x1024xf32, #tpu.memory_space<vmem>>, %arg6: memref<1x1024xf32, #tpu.memory_space<vmem>>, %arg7: memref<1x1024xf32, #tpu.memory_space<vmem>>, %arg8: memref<512x384xf32, #tpu.memory_space<vmem>>, %arg9: memref<1x128xf32, #tpu.memory_space<vmem>>, %arg10: memref<1024x34xf32, #tpu.memory_space<vmem>>, %arg11: memref<1024x128xf32, #tpu.memory_space<vmem>>, %arg12: memref<1024x128xf32, #tpu.memory_space<vmem>>, %arg13: memref<1024x128xf32, #tpu.memory_space<vmem>>, %arg14: memref<1024x2048xf32, #tpu.memory_space<vmem>>, %arg15: memref<1024x512xf32, #tpu.memory_space<vmem>>) attributes {dimension_semantics = [], scalar_prefetch = 0 : i64, scratch_operands = 2 : i64, tpu.core_type = #tpu.core_type<tc>} {
    %get3A = arith.constant 0 : index
    %get3A_0 = arith.constant 0 : index
    %get3A_1 = vector.load %arg0[%get3A, %get3A_0] : memref<1024x128xf32, #tpu.memory_space<vmem>>, vector<1024x128xf32>
    %get3A_2 = arith.constant 0 : index
    %get3A_3 = arith.constant 0 : index
    %get3A_4 = vector.load %arg1[%get3A_2, %get3A_3] : memref<128x2048xf32, #tpu.memory_space<vmem>>, vector<128x2048xf32>
    %dot_general3A = arith.constant dense<0.000000e+00> : vector<1024x2048xf32>
    %dot_general3A_5 = tpu.matmul %get3A_1, %get3A_4, %dot_general3A {dimension_numbers = #tpu.dot_dimension_numbers<[1], [0], [0], [1], [0, 0, 1, 1], [], []>, transpose_lhs_hint = false} : vector<1024x128xf32>, vector<128x2048xf32>, vector<1024x2048xf32> -> vector<1024x2048xf32>
    %swap3A = arith.constant 0 : index
    %swap3A_6 = arith.constant 0 : index
    %swap3A_7 = vector.load %arg14[%swap3A, %swap3A_6] : memref<1024x2048xf32, #tpu.memory_space<vmem>>, vector<1024x2048xf32>
    tpu.vector_store %arg14[%swap3A, %swap3A_6], %dot_general3A_5 {strides = array<i32>} : memref<1024x2048xf32, #tpu.memory_space<vmem>>, vector<1024x2048xf32>,
    %get3A_8 = arith.constant 0 : index
    %get3A_9 = arith.constant 0 : index
    %get3A_10 = vector.load %arg2[%get3A_8, %get3A_9] : memref<256x1024xf32, #tpu.memory_space<vmem>>, vector<256x1024xf32>
    %get3A_11 = arith.constant 0 : index
    %get3A_12 = arith.constant 0 : index
    %get3A_13 = vector.load %arg3[%get3A_11, %get3A_12] : memref<256x1024xf32, #tpu.memory_space<vmem>>, vector<256x1024xf32>
    %get3A_14 = arith.constant 0 : index
    %get3A_15 = arith.constant 0 : index
    %get3A_16 = vector.load %arg4[%get3A_14, %get3A_15] : memref<1x1024xf32, #tpu.memory_space<vmem>>, vector<1x1024xf32>
    %get3A_17 = arith.constant 0 : index
    %get3A_18 = arith.constant 0 : index
    %get3A_19 = vector.load %arg5[%get3A_17, %get3A_18] : memref<1x1024xf32, #tpu.memory_space<vmem>>, vector<1x1024xf32>
    %get3A_20 = arith.constant 0 : index
    %get3A_21 = arith.constant 0 : index
    %get3A_22 = vector.load %arg6[%get3A_20, %get3A_21] : memref<1x1024xf32, #tpu.memory_space<vmem>>, vector<1x1024xf32>
    %get3A_23 = arith.constant 0 : index
    %get3A_24 = arith.constant 0 : index
    %get3A_25 = vector.load %arg7[%get3A_23, %get3A_24] : memref<1x1024xf32, #tpu.memory_space<vmem>>, vector<1x1024xf32>
    %broadcast_in_dim3A = arith.constant 0.000000e+00 : f32
    %broadcast_in_dim3A_26 = vector.broadcast %broadcast_in_dim3A : f32 to vector<16x256xf32>
    %scan3A = arith.constant 0 : i32
    %scan3A_27 = arith.constant 64 : i32
    %scan3A_28 = arith.addi %scan3A, %scan3A_27 : i32
    %scan3A_29 = arith.constant 1 : i32
    %scan3A_30:4 = scf.for %scan3A_88 = %scan3A to %scan3A_28 step %scan3A_29 iter_args(%scan3A_89 = %broadcast_in_dim3A_26, %scan3A_90 = %broadcast_in_dim3A_26, %scan3A_91 = %broadcast_in_dim3A_26, %scan3A_92 = %broadcast_in_dim3A_26) -> (vector<16x256xf32>, vector<16x256xf32>, vector<16x256xf32>, vector<16x256xf32>)  : i32 {
      %mul3A = arith.constant 16 : i32
      %mul3A_93 = arith.muli %scan3A_88, %mul3A : i32
      %get3A_94 = arith.index_cast %mul3A_93 : i32 to index
      %get3A_95 = arith.constant 0 : index
      %get3A_96 = vector.load %arg14[%get3A_94, %get3A_95] : memref<1024x2048xf32, #tpu.memory_space<vmem>>, vector<16x1024xf32>
      %dot_general3A_97 = arith.constant dense<0.000000e+00> : vector<16x1024xf32>
      %dot_general3A_98 = tpu.matmul %scan3A_89, %get3A_10, %dot_general3A_97 {dimension_numbers = #tpu.dot_dimension_numbers<[1], [0], [0], [1], [0, 0, 1, 1], [], []>, transpose_lhs_hint = false} : vector<16x256xf32>, vector<256x1024xf32>, vector<16x1024xf32> -> vector<16x1024xf32>
      %add3A_99 = arith.addf %get3A_96, %dot_general3A_98 : vector<16x1024xf32>
      %add3A_100 = vector.broadcast %get3A_16 : vector<1x1024xf32> to vector<16x1024xf32>
      %add3A_101 = arith.addf %add3A_99, %add3A_100 : vector<16x1024xf32>
      %add3A_102 = vector.broadcast %get3A_19 : vector<1x1024xf32> to vector<16x1024xf32>
      %add3A_103 = arith.addf %add3A_101, %add3A_102 : vector<16x1024xf32>
      %slice3A_104 = vector.extract_strided_slice %add3A_103 {offsets = [0, 256], sizes = [16, 256], strides = [1, 1]} : vector<16x1024xf32> to vector<16x256xf32>
      %logistic3A = arith.negf %slice3A_104 : vector<16x256xf32>
      %logistic3A_105 = math.exp %logistic3A : vector<16x256xf32>
      %logistic3A_106 = arith.constant 1.000000e+00 : f32
      %logistic3A_107 = vector.broadcast %logistic3A_106 : f32 to vector<16x256xf32>
      %logistic3A_108 = arith.addf %logistic3A_107, %logistic3A_105 : vector<16x256xf32>
      %logistic3A_109 = arith.divf %logistic3A_107, %logistic3A_108 : vector<16x256xf32>
      %mul3A_110 = arith.mulf %logistic3A_109, %scan3A_90 : vector<16x256xf32>
      %slice3A_111 = vector.extract_strided_slice %add3A_103 {offsets = [0, 0], sizes = [16, 256], strides = [1, 1]} : vector<16x1024xf32> to vector<16x256xf32>
      %logistic3A_112 = arith.negf %slice3A_111 : vector<16x256xf32>
      %logistic3A_113 = math.exp %logistic3A_112 : vector<16x256xf32>
      %logistic3A_114 = arith.constant 1.000000e+00 : f32
      %logistic3A_115 = vector.broadcast %logistic3A_114 : f32 to vector<16x256xf32>
      %logistic3A_116 = arith.addf %logistic3A_115, %logistic3A_113 : vector<16x256xf32>
      %logistic3A_117 = arith.divf %logistic3A_115, %logistic3A_116 : vector<16x256xf32>
      %slice3A_118 = vector.extract_strided_slice %add3A_103 {offsets = [0, 512], sizes = [16, 256], strides = [1, 1]} : vector<16x1024xf32> to vector<16x256xf32>
      %tanh3A = math.tanh %slice3A_118 : vector<16x256xf32>
      %mul3A_119 = arith.mulf %logistic3A_117, %tanh3A : vector<16x256xf32>
      %add3A_120 = arith.addf %mul3A_110, %mul3A_119 : vector<16x256xf32>
      %slice3A_121 = vector.extract_strided_slice %add3A_103 {offsets = [0, 768], sizes = [16, 256], strides = [1, 1]} : vector<16x1024xf32> to vector<16x256xf32>
      %logistic3A_122 = arith.negf %slice3A_121 : vector<16x256xf32>
      %logistic3A_123 = math.exp %logistic3A_122 : vector<16x256xf32>
      %logistic3A_124 = arith.constant 1.000000e+00 : f32
      %logistic3A_125 = vector.broadcast %logistic3A_124 : f32 to vector<16x256xf32>
      %logistic3A_126 = arith.addf %logistic3A_125, %logistic3A_123 : vector<16x256xf32>
      %logistic3A_127 = arith.divf %logistic3A_125, %logistic3A_126 : vector<16x256xf32>
      %tanh3A_128 = math.tanh %add3A_120 : vector<16x256xf32>
      %mul3A_129 = arith.mulf %logistic3A_127, %tanh3A_128 : vector<16x256xf32>
      %mul3A_130 = arith.constant 16 : i32
      %mul3A_131 = arith.muli %scan3A_88, %mul3A_130 : i32
      %swap3A_132 = arith.index_cast %mul3A_131 : i32 to index
      %swap3A_133 = arith.constant 0 : index
      %swap3A_134 = vector.load %arg15[%swap3A_132, %swap3A_133] : memref<1024x512xf32, #tpu.memory_space<vmem>>, vector<16x256xf32>
      tpu.vector_store %arg15[%swap3A_132, %swap3A_133], %mul3A_129 {strides = array<i32>} : memref<1024x512xf32, #tpu.memory_space<vmem>>, vector<16x256xf32>,
      %sub3A_135 = arith.constant 63 : i32
      %sub3A_136 = arith.subi %sub3A_135, %scan3A_88 : i32
      %mul3A_137 = arith.constant 16 : i32
      %mul3A_138 = arith.muli %sub3A_136, %mul3A_137 : i32
      %get3A_139 = arith.index_cast %mul3A_138 : i32 to index
      %get3A_140 = arith.constant 1024 : index
      %get3A_141 = vector.load %arg14[%get3A_139, %get3A_140] : memref<1024x2048xf32, #tpu.memory_space<vmem>>, vector<16x1024xf32>
      %dot_general3A_142 = arith.constant dense<0.000000e+00> : vector<16x1024xf32>
      %dot_general3A_143 = tpu.matmul %scan3A_91, %get3A_13, %dot_general3A_142 {dimension_numbers = #tpu.dot_dimension_numbers<[1], [0], [0], [1], [0, 0, 1, 1], [], []>, transpose_lhs_hint = false} : vector<16x256xf32>, vector<256x1024xf32>, vector<16x1024xf32> -> vector<16x1024xf32>
      %add3A_144 = arith.addf %get3A_141, %dot_general3A_143 : vector<16x1024xf32>
      %add3A_145 = vector.broadcast %get3A_22 : vector<1x1024xf32> to vector<16x1024xf32>
      %add3A_146 = arith.addf %add3A_144, %add3A_145 : vector<16x1024xf32>
      %add3A_147 = vector.broadcast %get3A_25 : vector<1x1024xf32> to vector<16x1024xf32>
      %add3A_148 = arith.addf %add3A_146, %add3A_147 : vector<16x1024xf32>
      %slice3A_149 = vector.extract_strided_slice %add3A_148 {offsets = [0, 256], sizes = [16, 256], strides = [1, 1]} : vector<16x1024xf32> to vector<16x256xf32>
      %logistic3A_150 = arith.negf %slice3A_149 : vector<16x256xf32>
      %logistic3A_151 = math.exp %logistic3A_150 : vector<16x256xf32>
      %logistic3A_152 = arith.constant 1.000000e+00 : f32
      %logistic3A_153 = vector.broadcast %logistic3A_152 : f32 to vector<16x256xf32>
      %logistic3A_154 = arith.addf %logistic3A_153, %logistic3A_151 : vector<16x256xf32>
      %logistic3A_155 = arith.divf %logistic3A_153, %logistic3A_154 : vector<16x256xf32>
      %mul3A_156 = arith.mulf %logistic3A_155, %scan3A_92 : vector<16x256xf32>
      %slice3A_157 = vector.extract_strided_slice %add3A_148 {offsets = [0, 0], sizes = [16, 256], strides = [1, 1]} : vector<16x1024xf32> to vector<16x256xf32>
      %logistic3A_158 = arith.negf %slice3A_157 : vector<16x256xf32>
      %logistic3A_159 = math.exp %logistic3A_158 : vector<16x256xf32>
      %logistic3A_160 = arith.constant 1.000000e+00 : f32
      %logistic3A_161 = vector.broadcast %logistic3A_160 : f32 to vector<16x256xf32>
      %logistic3A_162 = arith.addf %logistic3A_161, %logistic3A_159 : vector<16x256xf32>
      %logistic3A_163 = arith.divf %logistic3A_161, %logistic3A_162 : vector<16x256xf32>
      %slice3A_164 = vector.extract_strided_slice %add3A_148 {offsets = [0, 512], sizes = [16, 256], strides = [1, 1]} : vector<16x1024xf32> to vector<16x256xf32>
      %tanh3A_165 = math.tanh %slice3A_164 : vector<16x256xf32>
      %mul3A_166 = arith.mulf %logistic3A_163, %tanh3A_165 : vector<16x256xf32>
      %add3A_167 = arith.addf %mul3A_156, %mul3A_166 : vector<16x256xf32>
      %slice3A_168 = vector.extract_strided_slice %add3A_148 {offsets = [0, 768], sizes = [16, 256], strides = [1, 1]} : vector<16x1024xf32> to vector<16x256xf32>
      %logistic3A_169 = arith.negf %slice3A_168 : vector<16x256xf32>
      %logistic3A_170 = math.exp %logistic3A_169 : vector<16x256xf32>
      %logistic3A_171 = arith.constant 1.000000e+00 : f32
      %logistic3A_172 = vector.broadcast %logistic3A_171 : f32 to vector<16x256xf32>
      %logistic3A_173 = arith.addf %logistic3A_172, %logistic3A_170 : vector<16x256xf32>
      %logistic3A_174 = arith.divf %logistic3A_172, %logistic3A_173 : vector<16x256xf32>
      %tanh3A_175 = math.tanh %add3A_167 : vector<16x256xf32>
      %mul3A_176 = arith.mulf %logistic3A_174, %tanh3A_175 : vector<16x256xf32>
      %mul3A_177 = arith.constant 16 : i32
      %mul3A_178 = arith.muli %sub3A_136, %mul3A_177 : i32
      %swap3A_179 = arith.index_cast %mul3A_178 : i32 to index
      %swap3A_180 = arith.constant 256 : index
      %swap3A_181 = vector.load %arg15[%swap3A_179, %swap3A_180] : memref<1024x512xf32, #tpu.memory_space<vmem>>, vector<16x256xf32>
      tpu.vector_store %arg15[%swap3A_179, %swap3A_180], %mul3A_176 {strides = array<i32>} : memref<1024x512xf32, #tpu.memory_space<vmem>>, vector<16x256xf32>,
      scf.yield %mul3A_129, %add3A_120, %mul3A_176, %add3A_167 : vector<16x256xf32>, vector<16x256xf32>, vector<16x256xf32>, vector<16x256xf32>
    }
    %scan3A_31 = arith.constant 64 : i32
    %get3A_32 = arith.constant 0 : index
    %get3A_33 = arith.constant 0 : index
    %get3A_34 = vector.load %arg15[%get3A_32, %get3A_33] : memref<1024x512xf32, #tpu.memory_space<vmem>>, vector<1024x512xf32>
    %get3A_35 = arith.constant 0 : index
    %get3A_36 = arith.constant 0 : index
    %get3A_37 = vector.load %arg8[%get3A_35, %get3A_36] : memref<512x384xf32, #tpu.memory_space<vmem>>, vector<512x384xf32>
    %dot_general3A_38 = arith.constant dense<0.000000e+00> : vector<1024x384xf32>
    %dot_general3A_39 = tpu.matmul %get3A_34, %get3A_37, %dot_general3A_38 {dimension_numbers = #tpu.dot_dimension_numbers<[1], [0], [0], [1], [0, 0, 1, 1], [], []>, transpose_lhs_hint = false} : vector<1024x512xf32>, vector<512x384xf32>, vector<1024x384xf32> -> vector<1024x384xf32>
    %slice3A = vector.extract_strided_slice %dot_general3A_39 {offsets = [0, 0], sizes = [1024, 128], strides = [1, 1]} : vector<1024x384xf32> to vector<1024x128xf32>
    %get3A_40 = arith.constant 0 : index
    %get3A_41 = arith.constant 0 : index
    %get3A_42 = vector.load %arg9[%get3A_40, %get3A_41] : memref<1x128xf32, #tpu.memory_space<vmem>>, vector<1x128xf32>
    %add3A = vector.broadcast %get3A_42 : vector<1x128xf32> to vector<1024x128xf32>
    %add3A_43 = arith.addf %slice3A, %add3A : vector<1024x128xf32>
    %slice3A_44 = vector.extract_strided_slice %add3A_43 {offsets = [0, 0], sizes = [1024, 34], strides = [1, 1]} : vector<1024x128xf32> to vector<1024x34xf32>
    %swap3A_45 = arith.constant 0 : index
    %swap3A_46 = arith.constant 0 : index
    %swap3A_47 = vector.load %arg10[%swap3A_45, %swap3A_46] : memref<1024x34xf32, #tpu.memory_space<vmem>>, vector<1024x34xf32>
    tpu.vector_store %arg10[%swap3A_45, %swap3A_46], %slice3A_44 {strides = array<i32>} : memref<1024x34xf32, #tpu.memory_space<vmem>>, vector<1024x34xf32>,
    %iota3A = tpu.iota {dimensions = array<i32: 1>} : vector<1024x128xi32>
    %lt3A = arith.constant 34 : i32
    %lt3A_48 = vector.broadcast %lt3A : i32 to vector<1024x128xi32>
    %lt3A_49 = arith.cmpi slt, %iota3A, %lt3A_48 : vector<1024x128xi32>
    %jit3A = arith.constant 0xFF800000 : f32
    %broadcast_in_dim3A_50 = vector.broadcast %jit3A : f32 to vector<1024x128xf32>
    %select_n3A = arith.select %lt3A_49, %add3A_43, %broadcast_in_dim3A_50 : vector<1024x128xi1>, vector<1024x128xf32>
    %reduce_max3A = arith.constant dense<0xFF800000> : vector<1024xf32>
    %reduce_max3A_51 = vector.multi_reduction <maximumf>, %select_n3A, %reduce_max3A [1] : vector<1024x128xf32> to vector<1024xf32>
    %broadcast_in_dim3A_52 = vector.shape_cast %reduce_max3A_51 : vector<1024xf32> to vector<1024x1xf32>
    %eq3A = vector.broadcast %broadcast_in_dim3A_52 : vector<1024x1xf32> to vector<1024x128xf32>
    %eq3A_53 = arith.cmpf oeq, %select_n3A, %eq3A : vector<1024x128xf32>
    %jit3A_54 = arith.constant 128 : i32
    %broadcast_in_dim3A_55 = vector.broadcast %jit3A_54 : i32 to vector<1024x128xi32>
    %select_n3A_56 = arith.select %eq3A_53, %iota3A, %broadcast_in_dim3A_55 : vector<1024x128xi1>, vector<1024x128xi32>
    %reduce_min3A = arith.constant dense<2147483647> : vector<1024xi32>
    %reduce_min3A_57 = vector.multi_reduction <minsi>, %select_n3A_56, %reduce_min3A [1] : vector<1024x128xi32> to vector<1024xi32>
    %broadcast_in_dim3A_58 = vector.shape_cast %reduce_min3A_57 : vector<1024xi32> to vector<1024x1xi32>
    %gt3A = arith.constant 0 : i32
    %gt3A_59 = vector.broadcast %gt3A : i32 to vector<1024x1xi32>
    %gt3A_60 = arith.cmpi sgt, %broadcast_in_dim3A_58, %gt3A_59 : vector<1024x1xi32>
    %sub3A = arith.constant 1 : i32
    %sub3A_61 = vector.broadcast %sub3A : i32 to vector<1024x1xi32>
    %sub3A_62 = arith.subi %broadcast_in_dim3A_58, %sub3A_61 : vector<1024x1xi32>
    %jit3A_63 = arith.constant 0 : i32
    %jit3A_64 = arith.constant 32 : i32
    %max3A = vector.broadcast %jit3A_63 : i32 to vector<1024x1xi32>
    %max3A_65 = arith.maxsi %max3A, %sub3A_62 : vector<1024x1xi32>
    %min3A = vector.broadcast %jit3A_64 : i32 to vector<1024x1xi32>
    %min3A_66 = arith.minsi %min3A, %max3A_65 : vector<1024x1xi32>
    %add3A_67 = arith.constant 35 : i32
    %add3A_68 = vector.broadcast %add3A_67 : i32 to vector<1024x1xi32>
    %add3A_69 = arith.addi %min3A_66, %add3A_68 : vector<1024x1xi32>
    %eq3A_70 = vector.broadcast %add3A_69 : vector<1024x1xi32> to vector<1024x128xi32>
    %eq3A_71 = arith.cmpi eq, %iota3A, %eq3A_70 : vector<1024x128xi32>
    %eq3A_72 = arith.constant 120 : i32
    %eq3A_73 = vector.broadcast %eq3A_72 : i32 to vector<1024x128xi32>
    %eq3A_74 = arith.cmpi eq, %iota3A, %eq3A_73 : vector<1024x128xi32>
    %or3A = arith.ori %eq3A_71, %eq3A_74 : vector<1024x128xi1>
    %and3A = vector.broadcast %gt3A_60 : vector<1024x1xi1> to vector<1024x128xi1>
    %and3A_75 = arith.andi %and3A, %or3A : vector<1024x128xi1>
    %convert_element_type3A = arith.extui %and3A_75 : vector<1024x128xi1> to vector<1024x128xi32>
    %convert_element_type3A_76 = arith.sitofp %convert_element_type3A : vector<1024x128xi32> to vector<1024x128xf32>
    %swap3A_77 = arith.constant 0 : index
    %swap3A_78 = arith.constant 0 : index
    %swap3A_79 = vector.load %arg11[%swap3A_77, %swap3A_78] : memref<1024x128xf32, #tpu.memory_space<vmem>>, vector<1024x128xf32>
    tpu.vector_store %arg11[%swap3A_77, %swap3A_78], %convert_element_type3A_76 {strides = array<i32>} : memref<1024x128xf32, #tpu.memory_space<vmem>>, vector<1024x128xf32>,
    %slice3A_80 = vector.extract_strided_slice %dot_general3A_39 {offsets = [0, 128], sizes = [1024, 128], strides = [1, 1]} : vector<1024x384xf32> to vector<1024x128xf32>
    %swap3A_81 = arith.constant 0 : index
    %swap3A_82 = arith.constant 0 : index
    %swap3A_83 = vector.load %arg12[%swap3A_81, %swap3A_82] : memref<1024x128xf32, #tpu.memory_space<vmem>>, vector<1024x128xf32>
    tpu.vector_store %arg12[%swap3A_81, %swap3A_82], %slice3A_80 {strides = array<i32>} : memref<1024x128xf32, #tpu.memory_space<vmem>>, vector<1024x128xf32>,
    %slice3A_84 = vector.extract_strided_slice %dot_general3A_39 {offsets = [0, 256], sizes = [1024, 128], strides = [1, 1]} : vector<1024x384xf32> to vector<1024x128xf32>
    %swap3A_85 = arith.constant 0 : index
    %swap3A_86 = arith.constant 0 : index
    %swap3A_87 = vector.load %arg13[%swap3A_85, %swap3A_86] : memref<1024x128xf32, #tpu.memory_space<vmem>>, vector<1024x128xf32>
    tpu.vector_store %arg13[%swap3A_85, %swap3A_86], %slice3A_84 {strides = array<i32>} : memref<1024x128xf32, #tpu.memory_space<vmem>>, vector<1024x128xf32>,
    return
  }
}

module attributes {stable_mosaic.version = 14 : i64} {
  func.func @_dec_body(%arg0: i32, %arg1: memref<16x64x128xf32, #tpu.memory_space<vmem>>, %arg2: memref<8x16x1x128xf32, #tpu.memory_space<vmem>>, %arg3: memref<8x16x1x128xf32, #tpu.memory_space<vmem>>, %arg4: memref<128x128xf32, #tpu.memory_space<vmem>>, %arg5: memref<1x128xf32, #tpu.memory_space<vmem>>, %arg6: memref<16x8x64x36xf32, #tpu.memory_space<vmem>>, %arg7: memref<16x64x128xf32, #tpu.memory_space<vmem>>) attributes {dimension_semantics = [#tpu.dimension_semantics<arbitrary>], iteration_bounds = array<i64: 8>, scalar_prefetch = 0 : i64, scratch_operands = 1 : i64, tpu.core_type = #tpu.core_type<tc>, window_params = [{pipeline_mode = #tpu.pipeline_mode<synchronous>, transform_indices = @transform_0, window_bounds = array<i64: 16, 64, 128>}, {transform_indices = @transform_1, window_bounds = array<i64: 8, 16, 1, 128>}, {transform_indices = @transform_2, window_bounds = array<i64: 8, 16, 1, 128>}, {pipeline_mode = #tpu.pipeline_mode<synchronous>, transform_indices = @transform_3, window_bounds = array<i64: 128, 128>}, {pipeline_mode = #tpu.pipeline_mode<synchronous>, transform_indices = @transform_4, window_bounds = array<i64: 1, 128>}, {transform_indices = @transform_5, window_bounds = array<i64: 16, 8, 64, 36>}]} {
    %eq3A = arith.constant 0 : i32
    %eq3A_0 = arith.cmpi eq, %arg0, %eq3A : i32
    %convert_element_type3A = arith.extui %eq3A_0 : i1 to i32
    %cond3A = arith.constant 0 : i32
    %cond3A_1 = arith.cmpi ne, %convert_element_type3A, %cond3A : i32
    scf.if %cond3A_1 {
      %broadcast_in_dim3A_519 = arith.constant 0.000000e+00 : f32
      %broadcast_in_dim3A_520 = vector.broadcast %broadcast_in_dim3A_519 : f32 to vector<16x64x128xf32>
      %swap3A_521 = arith.constant 0 : index
      %swap3A_522 = arith.constant 0 : index
      %swap3A_523 = arith.constant 0 : index
      %swap3A_524 = vector.load %arg7[%swap3A_521, %swap3A_522, %swap3A_523] : memref<16x64x128xf32, #tpu.memory_space<vmem>>, vector<16x64x128xf32>
      tpu.vector_store %arg7[%swap3A_521, %swap3A_522, %swap3A_523], %broadcast_in_dim3A_520 {strides = array<i32>} : memref<16x64x128xf32, #tpu.memory_space<vmem>>, vector<16x64x128xf32>,
    } else {
    }
    %get3A = arith.constant 0 : index
    %get3A_2 = arith.constant 0 : index
    %get3A_3 = arith.constant 0 : index
    %get3A_4 = vector.load %arg7[%get3A, %get3A_2, %get3A_3] : memref<16x64x128xf32, #tpu.memory_space<vmem>>, vector<16x64x128xf32>
    %get3A_5 = arith.constant 0 : index
    %get3A_6 = arith.constant 0 : index
    %get3A_7 = arith.constant 0 : index
    %get3A_8 = vector.load %arg1[%get3A_5, %get3A_6, %get3A_7] : memref<16x64x128xf32, #tpu.memory_space<vmem>>, vector<16x64x128xf32>
    %get3A_9 = arith.constant 0 : index
    %get3A_10 = arith.constant 0 : index
    %get3A_11 = vector.load %arg5[%get3A_9, %get3A_10] : memref<1x128xf32, #tpu.memory_space<vmem>>, vector<1x128xf32>
    %reshape3A = vector.shape_cast %get3A_11 : vector<1x128xf32> to vector<1x1x128xf32>
    %get3A_12 = arith.constant 0 : index
    %get3A_13 = arith.constant 0 : index
    %get3A_14 = vector.load %arg4[%get3A_12, %get3A_13] : memref<128x128xf32, #tpu.memory_space<vmem>>, vector<128x128xf32>
    %iota3A = tpu.iota {dimensions = array<i32: 2>} : vector<16x64x128xi32>
    %convert_element_type3A_15 = arith.sitofp %iota3A : vector<16x64x128xi32> to vector<16x64x128xf32>
    %reshape3A_16 = vector.shape_cast %get3A_4 : vector<16x64x128xf32> to vector<1024x128xf32>
    %dot_general3A = arith.constant dense<0.000000e+00> : vector<1024x128xf32>
    %dot_general3A_17 = tpu.matmul %reshape3A_16, %get3A_14, %dot_general3A {dimension_numbers = #tpu.dot_dimension_numbers<[1], [0], [0], [1], [0, 0, 1, 1], [], []>, transpose_lhs_hint = false} : vector<1024x128xf32>, vector<128x128xf32>, vector<1024x128xf32> -> vector<1024x128xf32>
    %reshape3A_18 = vector.shape_cast %dot_general3A_17 : vector<1024x128xf32> to vector<16x64x128xf32>
    %get3A_19 = arith.constant 0 : index
    %get3A_20 = arith.constant 0 : index
    %get3A_21 = arith.constant 0 : index
    %get3A_22 = arith.constant 0 : index
    %get3A_23 = vector.load %arg2[%get3A_19, %get3A_20, %get3A_21, %get3A_22] : memref<8x16x1x128xf32, #tpu.memory_space<vmem>>, vector<1x16x1x128xf32>
    %get3A_24 = vector.shape_cast %get3A_23 : vector<1x16x1x128xf32> to vector<16x1x128xf32>
    %get3A_25 = arith.constant 0 : index
    %get3A_26 = arith.constant 0 : index
    %get3A_27 = arith.constant 0 : index
    %get3A_28 = arith.constant 0 : index
    %get3A_29 = vector.load %arg3[%get3A_25, %get3A_26, %get3A_27, %get3A_28] : memref<8x16x1x128xf32, #tpu.memory_space<vmem>>, vector<1x16x1x128xf32>
    %get3A_30 = vector.shape_cast %get3A_29 : vector<1x16x1x128xf32> to vector<16x1x128xf32>
    %add3A = vector.broadcast %get3A_24 : vector<16x1x128xf32> to vector<16x64x128xf32>
    %add3A_31 = arith.addf %get3A_8, %add3A : vector<16x64x128xf32>
    %add3A_32 = arith.addf %add3A_31, %reshape3A_18 : vector<16x64x128xf32>
    %add3A_33 = vector.broadcast %reshape3A : vector<1x1x128xf32> to vector<16x64x128xf32>
    %add3A_34 = arith.addf %add3A_32, %add3A_33 : vector<16x64x128xf32>
    %slice3A = vector.extract_strided_slice %add3A_34 {offsets = [0, 0, 0], sizes = [16, 64, 36], strides = [1, 1, 1]} : vector<16x64x128xf32> to vector<16x64x36xf32>
    %swap3A = arith.constant 0 : index
    %swap3A_35 = arith.constant 0 : index
    %swap3A_36 = arith.constant 0 : index
    %swap3A_37 = arith.constant 0 : index
    %swap3A_38 = vector.load %arg6[%swap3A, %swap3A_35, %swap3A_36, %swap3A_37] : memref<16x8x64x36xf32, #tpu.memory_space<vmem>>, vector<16x1x64x36xf32>
    %swap3A_39 = vector.shape_cast %swap3A_38 : vector<16x1x64x36xf32> to vector<16x64x36xf32>
    %swap3A_40 = vector.shape_cast %slice3A : vector<16x64x36xf32> to vector<16x1x64x36xf32>
    tpu.vector_store %arg6[%swap3A, %swap3A_35, %swap3A_36, %swap3A_37], %swap3A_40 {strides = array<i32>} : memref<16x8x64x36xf32, #tpu.memory_space<vmem>>, vector<16x1x64x36xf32>,
    %reduce_max3A = arith.constant dense<0xFF800000> : vector<16x64xf32>
    %reduce_max3A_41 = vector.multi_reduction <maximumf>, %add3A_34, %reduce_max3A [2] : vector<16x64x128xf32> to vector<16x64xf32>
    %broadcast_in_dim3A = vector.shape_cast %reduce_max3A_41 : vector<16x64xf32> to vector<16x64x1xf32>
    %eq3A_42 = vector.broadcast %broadcast_in_dim3A : vector<16x64x1xf32> to vector<16x64x128xf32>
    %eq3A_43 = arith.cmpf oeq, %add3A_34, %eq3A_42 : vector<16x64x128xf32>
    %jit3A = arith.constant 1.280000e+02 : f32
    %broadcast_in_dim3A_44 = vector.broadcast %jit3A : f32 to vector<16x64x128xf32>
    %select_n3A = arith.select %eq3A_43, %convert_element_type3A_15, %broadcast_in_dim3A_44 : vector<16x64x128xi1>, vector<16x64x128xf32>
    %reduce_min3A = arith.constant dense<0x7F800000> : vector<16x64xf32>
    %reduce_min3A_45 = vector.multi_reduction <minimumf>, %select_n3A, %reduce_min3A [2] : vector<16x64x128xf32> to vector<16x64xf32>
    %broadcast_in_dim3A_46 = vector.shape_cast %reduce_min3A_45 : vector<16x64xf32> to vector<16x64x1xf32>
    %gt3A = arith.constant 5.000000e-01 : f32
    %gt3A_47 = vector.broadcast %gt3A : f32 to vector<16x64x1xf32>
    %gt3A_48 = arith.cmpf ogt, %broadcast_in_dim3A_46, %gt3A_47 : vector<16x64x1xf32>
    %slice3A_49 = vector.extract_strided_slice %get3A_30 {offsets = [0, 0, 120], sizes = [16, 1, 1], strides = [1, 1, 1]} : vector<16x1x128xf32> to vector<16x1x1xf32>
    %gt3A_50 = arith.constant 5.000000e-01 : f32
    %gt3A_51 = vector.broadcast %gt3A_50 : f32 to vector<16x1x1xf32>
    %gt3A_52 = arith.cmpf ogt, %slice3A_49, %gt3A_51 : vector<16x1x1xf32>
    %sub3A = arith.constant 1.000000e+00 : f32
    %sub3A_53 = vector.broadcast %sub3A : f32 to vector<16x64x1xf32>
    %sub3A_54 = arith.subf %broadcast_in_dim3A_46, %sub3A_53 : vector<16x64x1xf32>
    %eq3A_55 = vector.broadcast %sub3A_54 : vector<16x64x1xf32> to vector<16x64x128xf32>
    %eq3A_56 = arith.cmpf oeq, %convert_element_type3A_15, %eq3A_55 : vector<16x64x128xf32>
    %and3A = vector.broadcast %gt3A_52 : vector<16x1x1xi1> to vector<16x64x128xi1>
    %and3A_57 = arith.andi %and3A, %eq3A_56 : vector<16x64x128xi1>
    %gt3A_58 = arith.constant 5.000000e-01 : f32
    %gt3A_59 = vector.broadcast %gt3A_58 : f32 to vector<16x1x128xf32>
    %gt3A_60 = arith.cmpf ogt, %get3A_30, %gt3A_59 : vector<16x1x128xf32>
    %or3A = vector.broadcast %gt3A_60 : vector<16x1x128xi1> to vector<16x64x128xi1>
    %or3A_61 = arith.ori %and3A_57, %or3A : vector<16x64x128xi1>
    %and3A_62 = vector.broadcast %gt3A_48 : vector<16x64x1xi1> to vector<16x64x128xi1>
    %and3A_63 = arith.andi %and3A_62, %or3A_61 : vector<16x64x128xi1>
    %jit3A_64 = arith.constant 1.000000e+00 : f32
    %broadcast_in_dim3A_65 = vector.broadcast %jit3A_64 : f32 to vector<16x64x128xf32>
    %select_n3A_66 = arith.select %and3A_63, %broadcast_in_dim3A_65, %get3A_4 : vector<16x64x128xi1>, vector<16x64x128xf32>
    %reshape3A_67 = vector.shape_cast %select_n3A_66 : vector<16x64x128xf32> to vector<1024x128xf32>
    %dot_general3A_68 = arith.constant dense<0.000000e+00> : vector<1024x128xf32>
    %dot_general3A_69 = tpu.matmul %reshape3A_67, %get3A_14, %dot_general3A_68 {dimension_numbers = #tpu.dot_dimension_numbers<[1], [0], [0], [1], [0, 0, 1, 1], [], []>, transpose_lhs_hint = false} : vector<1024x128xf32>, vector<128x128xf32>, vector<1024x128xf32> -> vector<1024x128xf32>
    %reshape3A_70 = vector.shape_cast %dot_general3A_69 : vector<1024x128xf32> to vector<16x64x128xf32>
    %get3A_71 = arith.constant 1 : index
    %get3A_72 = arith.constant 0 : index
    %get3A_73 = arith.constant 0 : index
    %get3A_74 = arith.constant 0 : index
    %get3A_75 = vector.load %arg2[%get3A_71, %get3A_72, %get3A_73, %get3A_74] : memref<8x16x1x128xf32, #tpu.memory_space<vmem>>, vector<1x16x1x128xf32>
    %get3A_76 = vector.shape_cast %get3A_75 : vector<1x16x1x128xf32> to vector<16x1x128xf32>
    %get3A_77 = arith.constant 1 : index
    %get3A_78 = arith.constant 0 : index
    %get3A_79 = arith.constant 0 : index
    %get3A_80 = arith.constant 0 : index
    %get3A_81 = vector.load %arg3[%get3A_77, %get3A_78, %get3A_79, %get3A_80] : memref<8x16x1x128xf32, #tpu.memory_space<vmem>>, vector<1x16x1x128xf32>
    %get3A_82 = vector.shape_cast %get3A_81 : vector<1x16x1x128xf32> to vector<16x1x128xf32>
    %add3A_83 = vector.broadcast %get3A_76 : vector<16x1x128xf32> to vector<16x64x128xf32>
    %add3A_84 = arith.addf %get3A_8, %add3A_83 : vector<16x64x128xf32>
    %add3A_85 = arith.addf %add3A_84, %reshape3A_70 : vector<16x64x128xf32>
    %add3A_86 = vector.broadcast %reshape3A : vector<1x1x128xf32> to vector<16x64x128xf32>
    %add3A_87 = arith.addf %add3A_85, %add3A_86 : vector<16x64x128xf32>
    %slice3A_88 = vector.extract_strided_slice %add3A_87 {offsets = [0, 0, 0], sizes = [16, 64, 36], strides = [1, 1, 1]} : vector<16x64x128xf32> to vector<16x64x36xf32>
    %swap3A_89 = arith.constant 0 : index
    %swap3A_90 = arith.constant 1 : index
    %swap3A_91 = arith.constant 0 : index
    %swap3A_92 = arith.constant 0 : index
    %swap3A_93 = vector.load %arg6[%swap3A_89, %swap3A_90, %swap3A_91, %swap3A_92] : memref<16x8x64x36xf32, #tpu.memory_space<vmem>>, vector<16x1x64x36xf32>
    %swap3A_94 = vector.shape_cast %swap3A_93 : vector<16x1x64x36xf32> to vector<16x64x36xf32>
    %swap3A_95 = vector.shape_cast %slice3A_88 : vector<16x64x36xf32> to vector<16x1x64x36xf32>
    tpu.vector_store %arg6[%swap3A_89, %swap3A_90, %swap3A_91, %swap3A_92], %swap3A_95 {strides = array<i32>} : memref<16x8x64x36xf32, #tpu.memory_space<vmem>>, vector<16x1x64x36xf32>,
    %reduce_max3A_96 = arith.constant dense<0xFF800000> : vector<16x64xf32>
    %reduce_max3A_97 = vector.multi_reduction <maximumf>, %add3A_87, %reduce_max3A_96 [2] : vector<16x64x128xf32> to vector<16x64xf32>
    %broadcast_in_dim3A_98 = vector.shape_cast %reduce_max3A_97 : vector<16x64xf32> to vector<16x64x1xf32>
    %eq3A_99 = vector.broadcast %broadcast_in_dim3A_98 : vector<16x64x1xf32> to vector<16x64x128xf32>
    %eq3A_100 = arith.cmpf oeq, %add3A_87, %eq3A_99 : vector<16x64x128xf32>
    %jit3A_101 = arith.constant 1.280000e+02 : f32
    %broadcast_in_dim3A_102 = vector.broadcast %jit3A_101 : f32 to vector<16x64x128xf32>
    %select_n3A_103 = arith.select %eq3A_100, %convert_element_type3A_15, %broadcast_in_dim3A_102 : vector<16x64x128xi1>, vector<16x64x128xf32>
    %reduce_min3A_104 = arith.constant dense<0x7F800000> : vector<16x64xf32>
    %reduce_min3A_105 = vector.multi_reduction <minimumf>, %select_n3A_103, %reduce_min3A_104 [2] : vector<16x64x128xf32> to vector<16x64xf32>
    %broadcast_in_dim3A_106 = vector.shape_cast %reduce_min3A_105 : vector<16x64xf32> to vector<16x64x1xf32>
    %gt3A_107 = arith.constant 5.000000e-01 : f32
    %gt3A_108 = vector.broadcast %gt3A_107 : f32 to vector<16x64x1xf32>
    %gt3A_109 = arith.cmpf ogt, %broadcast_in_dim3A_106, %gt3A_108 : vector<16x64x1xf32>
    %slice3A_110 = vector.extract_strided_slice %get3A_82 {offsets = [0, 0, 120], sizes = [16, 1, 1], strides = [1, 1, 1]} : vector<16x1x128xf32> to vector<16x1x1xf32>
    %gt3A_111 = arith.constant 5.000000e-01 : f32
    %gt3A_112 = vector.broadcast %gt3A_111 : f32 to vector<16x1x1xf32>
    %gt3A_113 = arith.cmpf ogt, %slice3A_110, %gt3A_112 : vector<16x1x1xf32>
    %sub3A_114 = arith.constant 1.000000e+00 : f32
    %sub3A_115 = vector.broadcast %sub3A_114 : f32 to vector<16x64x1xf32>
    %sub3A_116 = arith.subf %broadcast_in_dim3A_106, %sub3A_115 : vector<16x64x1xf32>
    %eq3A_117 = vector.broadcast %sub3A_116 : vector<16x64x1xf32> to vector<16x64x128xf32>
    %eq3A_118 = arith.cmpf oeq, %convert_element_type3A_15, %eq3A_117 : vector<16x64x128xf32>
    %and3A_119 = vector.broadcast %gt3A_113 : vector<16x1x1xi1> to vector<16x64x128xi1>
    %and3A_120 = arith.andi %and3A_119, %eq3A_118 : vector<16x64x128xi1>
    %gt3A_121 = arith.constant 5.000000e-01 : f32
    %gt3A_122 = vector.broadcast %gt3A_121 : f32 to vector<16x1x128xf32>
    %gt3A_123 = arith.cmpf ogt, %get3A_82, %gt3A_122 : vector<16x1x128xf32>
    %or3A_124 = vector.broadcast %gt3A_123 : vector<16x1x128xi1> to vector<16x64x128xi1>
    %or3A_125 = arith.ori %and3A_120, %or3A_124 : vector<16x64x128xi1>
    %and3A_126 = vector.broadcast %gt3A_109 : vector<16x64x1xi1> to vector<16x64x128xi1>
    %and3A_127 = arith.andi %and3A_126, %or3A_125 : vector<16x64x128xi1>
    %jit3A_128 = arith.constant 1.000000e+00 : f32
    %broadcast_in_dim3A_129 = vector.broadcast %jit3A_128 : f32 to vector<16x64x128xf32>
    %select_n3A_130 = arith.select %and3A_127, %broadcast_in_dim3A_129, %select_n3A_66 : vector<16x64x128xi1>, vector<16x64x128xf32>
    %reshape3A_131 = vector.shape_cast %select_n3A_130 : vector<16x64x128xf32> to vector<1024x128xf32>
    %dot_general3A_132 = arith.constant dense<0.000000e+00> : vector<1024x128xf32>
    %dot_general3A_133 = tpu.matmul %reshape3A_131, %get3A_14, %dot_general3A_132 {dimension_numbers = #tpu.dot_dimension_numbers<[1], [0], [0], [1], [0, 0, 1, 1], [], []>, transpose_lhs_hint = false} : vector<1024x128xf32>, vector<128x128xf32>, vector<1024x128xf32> -> vector<1024x128xf32>
    %reshape3A_134 = vector.shape_cast %dot_general3A_133 : vector<1024x128xf32> to vector<16x64x128xf32>
    %get3A_135 = arith.constant 2 : index
    %get3A_136 = arith.constant 0 : index
    %get3A_137 = arith.constant 0 : index
    %get3A_138 = arith.constant 0 : index
    %get3A_139 = vector.load %arg2[%get3A_135, %get3A_136, %get3A_137, %get3A_138] : memref<8x16x1x128xf32, #tpu.memory_space<vmem>>, vector<1x16x1x128xf32>
    %get3A_140 = vector.shape_cast %get3A_139 : vector<1x16x1x128xf32> to vector<16x1x128xf32>
    %get3A_141 = arith.constant 2 : index
    %get3A_142 = arith.constant 0 : index
    %get3A_143 = arith.constant 0 : index
    %get3A_144 = arith.constant 0 : index
    %get3A_145 = vector.load %arg3[%get3A_141, %get3A_142, %get3A_143, %get3A_144] : memref<8x16x1x128xf32, #tpu.memory_space<vmem>>, vector<1x16x1x128xf32>
    %get3A_146 = vector.shape_cast %get3A_145 : vector<1x16x1x128xf32> to vector<16x1x128xf32>
    %add3A_147 = vector.broadcast %get3A_140 : vector<16x1x128xf32> to vector<16x64x128xf32>
    %add3A_148 = arith.addf %get3A_8, %add3A_147 : vector<16x64x128xf32>
    %add3A_149 = arith.addf %add3A_148, %reshape3A_134 : vector<16x64x128xf32>
    %add3A_150 = vector.broadcast %reshape3A : vector<1x1x128xf32> to vector<16x64x128xf32>
    %add3A_151 = arith.addf %add3A_149, %add3A_150 : vector<16x64x128xf32>
    %slice3A_152 = vector.extract_strided_slice %add3A_151 {offsets = [0, 0, 0], sizes = [16, 64, 36], strides = [1, 1, 1]} : vector<16x64x128xf32> to vector<16x64x36xf32>
    %swap3A_153 = arith.constant 0 : index
    %swap3A_154 = arith.constant 2 : index
    %swap3A_155 = arith.constant 0 : index
    %swap3A_156 = arith.constant 0 : index
    %swap3A_157 = vector.load %arg6[%swap3A_153, %swap3A_154, %swap3A_155, %swap3A_156] : memref<16x8x64x36xf32, #tpu.memory_space<vmem>>, vector<16x1x64x36xf32>
    %swap3A_158 = vector.shape_cast %swap3A_157 : vector<16x1x64x36xf32> to vector<16x64x36xf32>
    %swap3A_159 = vector.shape_cast %slice3A_152 : vector<16x64x36xf32> to vector<16x1x64x36xf32>
    tpu.vector_store %arg6[%swap3A_153, %swap3A_154, %swap3A_155, %swap3A_156], %swap3A_159 {strides = array<i32>} : memref<16x8x64x36xf32, #tpu.memory_space<vmem>>, vector<16x1x64x36xf32>,
    %reduce_max3A_160 = arith.constant dense<0xFF800000> : vector<16x64xf32>
    %reduce_max3A_161 = vector.multi_reduction <maximumf>, %add3A_151, %reduce_max3A_160 [2] : vector<16x64x128xf32> to vector<16x64xf32>
    %broadcast_in_dim3A_162 = vector.shape_cast %reduce_max3A_161 : vector<16x64xf32> to vector<16x64x1xf32>
    %eq3A_163 = vector.broadcast %broadcast_in_dim3A_162 : vector<16x64x1xf32> to vector<16x64x128xf32>
    %eq3A_164 = arith.cmpf oeq, %add3A_151, %eq3A_163 : vector<16x64x128xf32>
    %jit3A_165 = arith.constant 1.280000e+02 : f32
    %broadcast_in_dim3A_166 = vector.broadcast %jit3A_165 : f32 to vector<16x64x128xf32>
    %select_n3A_167 = arith.select %eq3A_164, %convert_element_type3A_15, %broadcast_in_dim3A_166 : vector<16x64x128xi1>, vector<16x64x128xf32>
    %reduce_min3A_168 = arith.constant dense<0x7F800000> : vector<16x64xf32>
    %reduce_min3A_169 = vector.multi_reduction <minimumf>, %select_n3A_167, %reduce_min3A_168 [2] : vector<16x64x128xf32> to vector<16x64xf32>
    %broadcast_in_dim3A_170 = vector.shape_cast %reduce_min3A_169 : vector<16x64xf32> to vector<16x64x1xf32>
    %gt3A_171 = arith.constant 5.000000e-01 : f32
    %gt3A_172 = vector.broadcast %gt3A_171 : f32 to vector<16x64x1xf32>
    %gt3A_173 = arith.cmpf ogt, %broadcast_in_dim3A_170, %gt3A_172 : vector<16x64x1xf32>
    %slice3A_174 = vector.extract_strided_slice %get3A_146 {offsets = [0, 0, 120], sizes = [16, 1, 1], strides = [1, 1, 1]} : vector<16x1x128xf32> to vector<16x1x1xf32>
    %gt3A_175 = arith.constant 5.000000e-01 : f32
    %gt3A_176 = vector.broadcast %gt3A_175 : f32 to vector<16x1x1xf32>
    %gt3A_177 = arith.cmpf ogt, %slice3A_174, %gt3A_176 : vector<16x1x1xf32>
    %sub3A_178 = arith.constant 1.000000e+00 : f32
    %sub3A_179 = vector.broadcast %sub3A_178 : f32 to vector<16x64x1xf32>
    %sub3A_180 = arith.subf %broadcast_in_dim3A_170, %sub3A_179 : vector<16x64x1xf32>
    %eq3A_181 = vector.broadcast %sub3A_180 : vector<16x64x1xf32> to vector<16x64x128xf32>
    %eq3A_182 = arith.cmpf oeq, %convert_element_type3A_15, %eq3A_181 : vector<16x64x128xf32>
    %and3A_183 = vector.broadcast %gt3A_177 : vector<16x1x1xi1> to vector<16x64x128xi1>
    %and3A_184 = arith.andi %and3A_183, %eq3A_182 : vector<16x64x128xi1>
    %gt3A_185 = arith.constant 5.000000e-01 : f32
    %gt3A_186 = vector.broadcast %gt3A_185 : f32 to vector<16x1x128xf32>
    %gt3A_187 = arith.cmpf ogt, %get3A_146, %gt3A_186 : vector<16x1x128xf32>
    %or3A_188 = vector.broadcast %gt3A_187 : vector<16x1x128xi1> to vector<16x64x128xi1>
    %or3A_189 = arith.ori %and3A_184, %or3A_188 : vector<16x64x128xi1>
    %and3A_190 = vector.broadcast %gt3A_173 : vector<16x64x1xi1> to vector<16x64x128xi1>
    %and3A_191 = arith.andi %and3A_190, %or3A_189 : vector<16x64x128xi1>
    %jit3A_192 = arith.constant 1.000000e+00 : f32
    %broadcast_in_dim3A_193 = vector.broadcast %jit3A_192 : f32 to vector<16x64x128xf32>
    %select_n3A_194 = arith.select %and3A_191, %broadcast_in_dim3A_193, %select_n3A_130 : vector<16x64x128xi1>, vector<16x64x128xf32>
    %reshape3A_195 = vector.shape_cast %select_n3A_194 : vector<16x64x128xf32> to vector<1024x128xf32>
    %dot_general3A_196 = arith.constant dense<0.000000e+00> : vector<1024x128xf32>
    %dot_general3A_197 = tpu.matmul %reshape3A_195, %get3A_14, %dot_general3A_196 {dimension_numbers = #tpu.dot_dimension_numbers<[1], [0], [0], [1], [0, 0, 1, 1], [], []>, transpose_lhs_hint = false} : vector<1024x128xf32>, vector<128x128xf32>, vector<1024x128xf32> -> vector<1024x128xf32>
    %reshape3A_198 = vector.shape_cast %dot_general3A_197 : vector<1024x128xf32> to vector<16x64x128xf32>
    %get3A_199 = arith.constant 3 : index
    %get3A_200 = arith.constant 0 : index
    %get3A_201 = arith.constant 0 : index
    %get3A_202 = arith.constant 0 : index
    %get3A_203 = vector.load %arg2[%get3A_199, %get3A_200, %get3A_201, %get3A_202] : memref<8x16x1x128xf32, #tpu.memory_space<vmem>>, vector<1x16x1x128xf32>
    %get3A_204 = vector.shape_cast %get3A_203 : vector<1x16x1x128xf32> to vector<16x1x128xf32>
    %get3A_205 = arith.constant 3 : index
    %get3A_206 = arith.constant 0 : index
    %get3A_207 = arith.constant 0 : index
    %get3A_208 = arith.constant 0 : index
    %get3A_209 = vector.load %arg3[%get3A_205, %get3A_206, %get3A_207, %get3A_208] : memref<8x16x1x128xf32, #tpu.memory_space<vmem>>, vector<1x16x1x128xf32>
    %get3A_210 = vector.shape_cast %get3A_209 : vector<1x16x1x128xf32> to vector<16x1x128xf32>
    %add3A_211 = vector.broadcast %get3A_204 : vector<16x1x128xf32> to vector<16x64x128xf32>
    %add3A_212 = arith.addf %get3A_8, %add3A_211 : vector<16x64x128xf32>
    %add3A_213 = arith.addf %add3A_212, %reshape3A_198 : vector<16x64x128xf32>
    %add3A_214 = vector.broadcast %reshape3A : vector<1x1x128xf32> to vector<16x64x128xf32>
    %add3A_215 = arith.addf %add3A_213, %add3A_214 : vector<16x64x128xf32>
    %slice3A_216 = vector.extract_strided_slice %add3A_215 {offsets = [0, 0, 0], sizes = [16, 64, 36], strides = [1, 1, 1]} : vector<16x64x128xf32> to vector<16x64x36xf32>
    %swap3A_217 = arith.constant 0 : index
    %swap3A_218 = arith.constant 3 : index
    %swap3A_219 = arith.constant 0 : index
    %swap3A_220 = arith.constant 0 : index
    %swap3A_221 = vector.load %arg6[%swap3A_217, %swap3A_218, %swap3A_219, %swap3A_220] : memref<16x8x64x36xf32, #tpu.memory_space<vmem>>, vector<16x1x64x36xf32>
    %swap3A_222 = vector.shape_cast %swap3A_221 : vector<16x1x64x36xf32> to vector<16x64x36xf32>
    %swap3A_223 = vector.shape_cast %slice3A_216 : vector<16x64x36xf32> to vector<16x1x64x36xf32>
    tpu.vector_store %arg6[%swap3A_217, %swap3A_218, %swap3A_219, %swap3A_220], %swap3A_223 {strides = array<i32>} : memref<16x8x64x36xf32, #tpu.memory_space<vmem>>, vector<16x1x64x36xf32>,
    %reduce_max3A_224 = arith.constant dense<0xFF800000> : vector<16x64xf32>
    %reduce_max3A_225 = vector.multi_reduction <maximumf>, %add3A_215, %reduce_max3A_224 [2] : vector<16x64x128xf32> to vector<16x64xf32>
    %broadcast_in_dim3A_226 = vector.shape_cast %reduce_max3A_225 : vector<16x64xf32> to vector<16x64x1xf32>
    %eq3A_227 = vector.broadcast %broadcast_in_dim3A_226 : vector<16x64x1xf32> to vector<16x64x128xf32>
    %eq3A_228 = arith.cmpf oeq, %add3A_215, %eq3A_227 : vector<16x64x128xf32>
    %jit3A_229 = arith.constant 1.280000e+02 : f32
    %broadcast_in_dim3A_230 = vector.broadcast %jit3A_229 : f32 to vector<16x64x128xf32>
    %select_n3A_231 = arith.select %eq3A_228, %convert_element_type3A_15, %broadcast_in_dim3A_230 : vector<16x64x128xi1>, vector<16x64x128xf32>
    %reduce_min3A_232 = arith.constant dense<0x7F800000> : vector<16x64xf32>
    %reduce_min3A_233 = vector.multi_reduction <minimumf>, %select_n3A_231, %reduce_min3A_232 [2] : vector<16x64x128xf32> to vector<16x64xf32>
    %broadcast_in_dim3A_234 = vector.shape_cast %reduce_min3A_233 : vector<16x64xf32> to vector<16x64x1xf32>
    %gt3A_235 = arith.constant 5.000000e-01 : f32
    %gt3A_236 = vector.broadcast %gt3A_235 : f32 to vector<16x64x1xf32>
    %gt3A_237 = arith.cmpf ogt, %broadcast_in_dim3A_234, %gt3A_236 : vector<16x64x1xf32>
    %slice3A_238 = vector.extract_strided_slice %get3A_210 {offsets = [0, 0, 120], sizes = [16, 1, 1], strides = [1, 1, 1]} : vector<16x1x128xf32> to vector<16x1x1xf32>
    %gt3A_239 = arith.constant 5.000000e-01 : f32
    %gt3A_240 = vector.broadcast %gt3A_239 : f32 to vector<16x1x1xf32>
    %gt3A_241 = arith.cmpf ogt, %slice3A_238, %gt3A_240 : vector<16x1x1xf32>
    %sub3A_242 = arith.constant 1.000000e+00 : f32
    %sub3A_243 = vector.broadcast %sub3A_242 : f32 to vector<16x64x1xf32>
    %sub3A_244 = arith.subf %broadcast_in_dim3A_234, %sub3A_243 : vector<16x64x1xf32>
    %eq3A_245 = vector.broadcast %sub3A_244 : vector<16x64x1xf32> to vector<16x64x128xf32>
    %eq3A_246 = arith.cmpf oeq, %convert_element_type3A_15, %eq3A_245 : vector<16x64x128xf32>
    %and3A_247 = vector.broadcast %gt3A_241 : vector<16x1x1xi1> to vector<16x64x128xi1>
    %and3A_248 = arith.andi %and3A_247, %eq3A_246 : vector<16x64x128xi1>
    %gt3A_249 = arith.constant 5.000000e-01 : f32
    %gt3A_250 = vector.broadcast %gt3A_249 : f32 to vector<16x1x128xf32>
    %gt3A_251 = arith.cmpf ogt, %get3A_210, %gt3A_250 : vector<16x1x128xf32>
    %or3A_252 = vector.broadcast %gt3A_251 : vector<16x1x128xi1> to vector<16x64x128xi1>
    %or3A_253 = arith.ori %and3A_248, %or3A_252 : vector<16x64x128xi1>
    %and3A_254 = vector.broadcast %gt3A_237 : vector<16x64x1xi1> to vector<16x64x128xi1>
    %and3A_255 = arith.andi %and3A_254, %or3A_253 : vector<16x64x128xi1>
    %jit3A_256 = arith.constant 1.000000e+00 : f32
    %broadcast_in_dim3A_257 = vector.broadcast %jit3A_256 : f32 to vector<16x64x128xf32>
    %select_n3A_258 = arith.select %and3A_255, %broadcast_in_dim3A_257, %select_n3A_194 : vector<16x64x128xi1>, vector<16x64x128xf32>
    %reshape3A_259 = vector.shape_cast %select_n3A_258 : vector<16x64x128xf32> to vector<1024x128xf32>
    %dot_general3A_260 = arith.constant dense<0.000000e+00> : vector<1024x128xf32>
    %dot_general3A_261 = tpu.matmul %reshape3A_259, %get3A_14, %dot_general3A_260 {dimension_numbers = #tpu.dot_dimension_numbers<[1], [0], [0], [1], [0, 0, 1, 1], [], []>, transpose_lhs_hint = false} : vector<1024x128xf32>, vector<128x128xf32>, vector<1024x128xf32> -> vector<1024x128xf32>
    %reshape3A_262 = vector.shape_cast %dot_general3A_261 : vector<1024x128xf32> to vector<16x64x128xf32>
    %get3A_263 = arith.constant 4 : index
    %get3A_264 = arith.constant 0 : index
    %get3A_265 = arith.constant 0 : index
    %get3A_266 = arith.constant 0 : index
    %get3A_267 = vector.load %arg2[%get3A_263, %get3A_264, %get3A_265, %get3A_266] : memref<8x16x1x128xf32, #tpu.memory_space<vmem>>, vector<1x16x1x128xf32>
    %get3A_268 = vector.shape_cast %get3A_267 : vector<1x16x1x128xf32> to vector<16x1x128xf32>
    %get3A_269 = arith.constant 4 : index
    %get3A_270 = arith.constant 0 : index
    %get3A_271 = arith.constant 0 : index
    %get3A_272 = arith.constant 0 : index
    %get3A_273 = vector.load %arg3[%get3A_269, %get3A_270, %get3A_271, %get3A_272] : memref<8x16x1x128xf32, #tpu.memory_space<vmem>>, vector<1x16x1x128xf32>
    %get3A_274 = vector.shape_cast %get3A_273 : vector<1x16x1x128xf32> to vector<16x1x128xf32>
    %add3A_275 = vector.broadcast %get3A_268 : vector<16x1x128xf32> to vector<16x64x128xf32>
    %add3A_276 = arith.addf %get3A_8, %add3A_275 : vector<16x64x128xf32>
    %add3A_277 = arith.addf %add3A_276, %reshape3A_262 : vector<16x64x128xf32>
    %add3A_278 = vector.broadcast %reshape3A : vector<1x1x128xf32> to vector<16x64x128xf32>
    %add3A_279 = arith.addf %add3A_277, %add3A_278 : vector<16x64x128xf32>
    %slice3A_280 = vector.extract_strided_slice %add3A_279 {offsets = [0, 0, 0], sizes = [16, 64, 36], strides = [1, 1, 1]} : vector<16x64x128xf32> to vector<16x64x36xf32>
    %swap3A_281 = arith.constant 0 : index
    %swap3A_282 = arith.constant 4 : index
    %swap3A_283 = arith.constant 0 : index
    %swap3A_284 = arith.constant 0 : index
    %swap3A_285 = vector.load %arg6[%swap3A_281, %swap3A_282, %swap3A_283, %swap3A_284] : memref<16x8x64x36xf32, #tpu.memory_space<vmem>>, vector<16x1x64x36xf32>
    %swap3A_286 = vector.shape_cast %swap3A_285 : vector<16x1x64x36xf32> to vector<16x64x36xf32>
    %swap3A_287 = vector.shape_cast %slice3A_280 : vector<16x64x36xf32> to vector<16x1x64x36xf32>
    tpu.vector_store %arg6[%swap3A_281, %swap3A_282, %swap3A_283, %swap3A_284], %swap3A_287 {strides = array<i32>} : memref<16x8x64x36xf32, #tpu.memory_space<vmem>>, vector<16x1x64x36xf32>,
    %reduce_max3A_288 = arith.constant dense<0xFF800000> : vector<16x64xf32>
    %reduce_max3A_289 = vector.multi_reduction <maximumf>, %add3A_279, %reduce_max3A_288 [2] : vector<16x64x128xf32> to vector<16x64xf32>
    %broadcast_in_dim3A_290 = vector.shape_cast %reduce_max3A_289 : vector<16x64xf32> to vector<16x64x1xf32>
    %eq3A_291 = vector.broadcast %broadcast_in_dim3A_290 : vector<16x64x1xf32> to vector<16x64x128xf32>
    %eq3A_292 = arith.cmpf oeq, %add3A_279, %eq3A_291 : vector<16x64x128xf32>
    %jit3A_293 = arith.constant 1.280000e+02 : f32
    %broadcast_in_dim3A_294 = vector.broadcast %jit3A_293 : f32 to vector<16x64x128xf32>
    %select_n3A_295 = arith.select %eq3A_292, %convert_element_type3A_15, %broadcast_in_dim3A_294 : vector<16x64x128xi1>, vector<16x64x128xf32>
    %reduce_min3A_296 = arith.constant dense<0x7F800000> : vector<16x64xf32>
    %reduce_min3A_297 = vector.multi_reduction <minimumf>, %select_n3A_295, %reduce_min3A_296 [2] : vector<16x64x128xf32> to vector<16x64xf32>
    %broadcast_in_dim3A_298 = vector.shape_cast %reduce_min3A_297 : vector<16x64xf32> to vector<16x64x1xf32>
    %gt3A_299 = arith.constant 5.000000e-01 : f32
    %gt3A_300 = vector.broadcast %gt3A_299 : f32 to vector<16x64x1xf32>
    %gt3A_301 = arith.cmpf ogt, %broadcast_in_dim3A_298, %gt3A_300 : vector<16x64x1xf32>
    %slice3A_302 = vector.extract_strided_slice %get3A_274 {offsets = [0, 0, 120], sizes = [16, 1, 1], strides = [1, 1, 1]} : vector<16x1x128xf32> to vector<16x1x1xf32>
    %gt3A_303 = arith.constant 5.000000e-01 : f32
    %gt3A_304 = vector.broadcast %gt3A_303 : f32 to vector<16x1x1xf32>
    %gt3A_305 = arith.cmpf ogt, %slice3A_302, %gt3A_304 : vector<16x1x1xf32>
    %sub3A_306 = arith.constant 1.000000e+00 : f32
    %sub3A_307 = vector.broadcast %sub3A_306 : f32 to vector<16x64x1xf32>
    %sub3A_308 = arith.subf %broadcast_in_dim3A_298, %sub3A_307 : vector<16x64x1xf32>
    %eq3A_309 = vector.broadcast %sub3A_308 : vector<16x64x1xf32> to vector<16x64x128xf32>
    %eq3A_310 = arith.cmpf oeq, %convert_element_type3A_15, %eq3A_309 : vector<16x64x128xf32>
    %and3A_311 = vector.broadcast %gt3A_305 : vector<16x1x1xi1> to vector<16x64x128xi1>
    %and3A_312 = arith.andi %and3A_311, %eq3A_310 : vector<16x64x128xi1>
    %gt3A_313 = arith.constant 5.000000e-01 : f32
    %gt3A_314 = vector.broadcast %gt3A_313 : f32 to vector<16x1x128xf32>
    %gt3A_315 = arith.cmpf ogt, %get3A_274, %gt3A_314 : vector<16x1x128xf32>
    %or3A_316 = vector.broadcast %gt3A_315 : vector<16x1x128xi1> to vector<16x64x128xi1>
    %or3A_317 = arith.ori %and3A_312, %or3A_316 : vector<16x64x128xi1>
    %and3A_318 = vector.broadcast %gt3A_301 : vector<16x64x1xi1> to vector<16x64x128xi1>
    %and3A_319 = arith.andi %and3A_318, %or3A_317 : vector<16x64x128xi1>
    %jit3A_320 = arith.constant 1.000000e+00 : f32
    %broadcast_in_dim3A_321 = vector.broadcast %jit3A_320 : f32 to vector<16x64x128xf32>
    %select_n3A_322 = arith.select %and3A_319, %broadcast_in_dim3A_321, %select_n3A_258 : vector<16x64x128xi1>, vector<16x64x128xf32>
    %reshape3A_323 = vector.shape_cast %select_n3A_322 : vector<16x64x128xf32> to vector<1024x128xf32>
    %dot_general3A_324 = arith.constant dense<0.000000e+00> : vector<1024x128xf32>
    %dot_general3A_325 = tpu.matmul %reshape3A_323, %get3A_14, %dot_general3A_324 {dimension_numbers = #tpu.dot_dimension_numbers<[1], [0], [0], [1], [0, 0, 1, 1], [], []>, transpose_lhs_hint = false} : vector<1024x128xf32>, vector<128x128xf32>, vector<1024x128xf32> -> vector<1024x128xf32>
    %reshape3A_326 = vector.shape_cast %dot_general3A_325 : vector<1024x128xf32> to vector<16x64x128xf32>
    %get3A_327 = arith.constant 5 : index
    %get3A_328 = arith.constant 0 : index
    %get3A_329 = arith.constant 0 : index
    %get3A_330 = arith.constant 0 : index
    %get3A_331 = vector.load %arg2[%get3A_327, %get3A_328, %get3A_329, %get3A_330] : memref<8x16x1x128xf32, #tpu.memory_space<vmem>>, vector<1x16x1x128xf32>
    %get3A_332 = vector.shape_cast %get3A_331 : vector<1x16x1x128xf32> to vector<16x1x128xf32>
    %get3A_333 = arith.constant 5 : index
    %get3A_334 = arith.constant 0 : index
    %get3A_335 = arith.constant 0 : index
    %get3A_336 = arith.constant 0 : index
    %get3A_337 = vector.load %arg3[%get3A_333, %get3A_334, %get3A_335, %get3A_336] : memref<8x16x1x128xf32, #tpu.memory_space<vmem>>, vector<1x16x1x128xf32>
    %get3A_338 = vector.shape_cast %get3A_337 : vector<1x16x1x128xf32> to vector<16x1x128xf32>
    %add3A_339 = vector.broadcast %get3A_332 : vector<16x1x128xf32> to vector<16x64x128xf32>
    %add3A_340 = arith.addf %get3A_8, %add3A_339 : vector<16x64x128xf32>
    %add3A_341 = arith.addf %add3A_340, %reshape3A_326 : vector<16x64x128xf32>
    %add3A_342 = vector.broadcast %reshape3A : vector<1x1x128xf32> to vector<16x64x128xf32>
    %add3A_343 = arith.addf %add3A_341, %add3A_342 : vector<16x64x128xf32>
    %slice3A_344 = vector.extract_strided_slice %add3A_343 {offsets = [0, 0, 0], sizes = [16, 64, 36], strides = [1, 1, 1]} : vector<16x64x128xf32> to vector<16x64x36xf32>
    %swap3A_345 = arith.constant 0 : index
    %swap3A_346 = arith.constant 5 : index
    %swap3A_347 = arith.constant 0 : index
    %swap3A_348 = arith.constant 0 : index
    %swap3A_349 = vector.load %arg6[%swap3A_345, %swap3A_346, %swap3A_347, %swap3A_348] : memref<16x8x64x36xf32, #tpu.memory_space<vmem>>, vector<16x1x64x36xf32>
    %swap3A_350 = vector.shape_cast %swap3A_349 : vector<16x1x64x36xf32> to vector<16x64x36xf32>
    %swap3A_351 = vector.shape_cast %slice3A_344 : vector<16x64x36xf32> to vector<16x1x64x36xf32>
    tpu.vector_store %arg6[%swap3A_345, %swap3A_346, %swap3A_347, %swap3A_348], %swap3A_351 {strides = array<i32>} : memref<16x8x64x36xf32, #tpu.memory_space<vmem>>, vector<16x1x64x36xf32>,
    %reduce_max3A_352 = arith.constant dense<0xFF800000> : vector<16x64xf32>
    %reduce_max3A_353 = vector.multi_reduction <maximumf>, %add3A_343, %reduce_max3A_352 [2] : vector<16x64x128xf32> to vector<16x64xf32>
    %broadcast_in_dim3A_354 = vector.shape_cast %reduce_max3A_353 : vector<16x64xf32> to vector<16x64x1xf32>
    %eq3A_355 = vector.broadcast %broadcast_in_dim3A_354 : vector<16x64x1xf32> to vector<16x64x128xf32>
    %eq3A_356 = arith.cmpf oeq, %add3A_343, %eq3A_355 : vector<16x64x128xf32>
    %jit3A_357 = arith.constant 1.280000e+02 : f32
    %broadcast_in_dim3A_358 = vector.broadcast %jit3A_357 : f32 to vector<16x64x128xf32>
    %select_n3A_359 = arith.select %eq3A_356, %convert_element_type3A_15, %broadcast_in_dim3A_358 : vector<16x64x128xi1>, vector<16x64x128xf32>
    %reduce_min3A_360 = arith.constant dense<0x7F800000> : vector<16x64xf32>
    %reduce_min3A_361 = vector.multi_reduction <minimumf>, %select_n3A_359, %reduce_min3A_360 [2] : vector<16x64x128xf32> to vector<16x64xf32>
    %broadcast_in_dim3A_362 = vector.shape_cast %reduce_min3A_361 : vector<16x64xf32> to vector<16x64x1xf32>
    %gt3A_363 = arith.constant 5.000000e-01 : f32
    %gt3A_364 = vector.broadcast %gt3A_363 : f32 to vector<16x64x1xf32>
    %gt3A_365 = arith.cmpf ogt, %broadcast_in_dim3A_362, %gt3A_364 : vector<16x64x1xf32>
    %slice3A_366 = vector.extract_strided_slice %get3A_338 {offsets = [0, 0, 120], sizes = [16, 1, 1], strides = [1, 1, 1]} : vector<16x1x128xf32> to vector<16x1x1xf32>
    %gt3A_367 = arith.constant 5.000000e-01 : f32
    %gt3A_368 = vector.broadcast %gt3A_367 : f32 to vector<16x1x1xf32>
    %gt3A_369 = arith.cmpf ogt, %slice3A_366, %gt3A_368 : vector<16x1x1xf32>
    %sub3A_370 = arith.constant 1.000000e+00 : f32
    %sub3A_371 = vector.broadcast %sub3A_370 : f32 to vector<16x64x1xf32>
    %sub3A_372 = arith.subf %broadcast_in_dim3A_362, %sub3A_371 : vector<16x64x1xf32>
    %eq3A_373 = vector.broadcast %sub3A_372 : vector<16x64x1xf32> to vector<16x64x128xf32>
    %eq3A_374 = arith.cmpf oeq, %convert_element_type3A_15, %eq3A_373 : vector<16x64x128xf32>
    %and3A_375 = vector.broadcast %gt3A_369 : vector<16x1x1xi1> to vector<16x64x128xi1>
    %and3A_376 = arith.andi %and3A_375, %eq3A_374 : vector<16x64x128xi1>
    %gt3A_377 = arith.constant 5.000000e-01 : f32
    %gt3A_378 = vector.broadcast %gt3A_377 : f32 to vector<16x1x128xf32>
    %gt3A_379 = arith.cmpf ogt, %get3A_338, %gt3A_378 : vector<16x1x128xf32>
    %or3A_380 = vector.broadcast %gt3A_379 : vector<16x1x128xi1> to vector<16x64x128xi1>
    %or3A_381 = arith.ori %and3A_376, %or3A_380 : vector<16x64x128xi1>
    %and3A_382 = vector.broadcast %gt3A_365 : vector<16x64x1xi1> to vector<16x64x128xi1>
    %and3A_383 = arith.andi %and3A_382, %or3A_381 : vector<16x64x128xi1>
    %jit3A_384 = arith.constant 1.000000e+00 : f32
    %broadcast_in_dim3A_385 = vector.broadcast %jit3A_384 : f32 to vector<16x64x128xf32>
    %select_n3A_386 = arith.select %and3A_383, %broadcast_in_dim3A_385, %select_n3A_322 : vector<16x64x128xi1>, vector<16x64x128xf32>
    %reshape3A_387 = vector.shape_cast %select_n3A_386 : vector<16x64x128xf32> to vector<1024x128xf32>
    %dot_general3A_388 = arith.constant dense<0.000000e+00> : vector<1024x128xf32>
    %dot_general3A_389 = tpu.matmul %reshape3A_387, %get3A_14, %dot_general3A_388 {dimension_numbers = #tpu.dot_dimension_numbers<[1], [0], [0], [1], [0, 0, 1, 1], [], []>, transpose_lhs_hint = false} : vector<1024x128xf32>, vector<128x128xf32>, vector<1024x128xf32> -> vector<1024x128xf32>
    %reshape3A_390 = vector.shape_cast %dot_general3A_389 : vector<1024x128xf32> to vector<16x64x128xf32>
    %get3A_391 = arith.constant 6 : index
    %get3A_392 = arith.constant 0 : index
    %get3A_393 = arith.constant 0 : index
    %get3A_394 = arith.constant 0 : index
    %get3A_395 = vector.load %arg2[%get3A_391, %get3A_392, %get3A_393, %get3A_394] : memref<8x16x1x128xf32, #tpu.memory_space<vmem>>, vector<1x16x1x128xf32>
    %get3A_396 = vector.shape_cast %get3A_395 : vector<1x16x1x128xf32> to vector<16x1x128xf32>
    %get3A_397 = arith.constant 6 : index
    %get3A_398 = arith.constant 0 : index
    %get3A_399 = arith.constant 0 : index
    %get3A_400 = arith.constant 0 : index
    %get3A_401 = vector.load %arg3[%get3A_397, %get3A_398, %get3A_399, %get3A_400] : memref<8x16x1x128xf32, #tpu.memory_space<vmem>>, vector<1x16x1x128xf32>
    %get3A_402 = vector.shape_cast %get3A_401 : vector<1x16x1x128xf32> to vector<16x1x128xf32>
    %add3A_403 = vector.broadcast %get3A_396 : vector<16x1x128xf32> to vector<16x64x128xf32>
    %add3A_404 = arith.addf %get3A_8, %add3A_403 : vector<16x64x128xf32>
    %add3A_405 = arith.addf %add3A_404, %reshape3A_390 : vector<16x64x128xf32>
    %add3A_406 = vector.broadcast %reshape3A : vector<1x1x128xf32> to vector<16x64x128xf32>
    %add3A_407 = arith.addf %add3A_405, %add3A_406 : vector<16x64x128xf32>
    %slice3A_408 = vector.extract_strided_slice %add3A_407 {offsets = [0, 0, 0], sizes = [16, 64, 36], strides = [1, 1, 1]} : vector<16x64x128xf32> to vector<16x64x36xf32>
    %swap3A_409 = arith.constant 0 : index
    %swap3A_410 = arith.constant 6 : index
    %swap3A_411 = arith.constant 0 : index
    %swap3A_412 = arith.constant 0 : index
    %swap3A_413 = vector.load %arg6[%swap3A_409, %swap3A_410, %swap3A_411, %swap3A_412] : memref<16x8x64x36xf32, #tpu.memory_space<vmem>>, vector<16x1x64x36xf32>
    %swap3A_414 = vector.shape_cast %swap3A_413 : vector<16x1x64x36xf32> to vector<16x64x36xf32>
    %swap3A_415 = vector.shape_cast %slice3A_408 : vector<16x64x36xf32> to vector<16x1x64x36xf32>
    tpu.vector_store %arg6[%swap3A_409, %swap3A_410, %swap3A_411, %swap3A_412], %swap3A_415 {strides = array<i32>} : memref<16x8x64x36xf32, #tpu.memory_space<vmem>>, vector<16x1x64x36xf32>,
    %reduce_max3A_416 = arith.constant dense<0xFF800000> : vector<16x64xf32>
    %reduce_max3A_417 = vector.multi_reduction <maximumf>, %add3A_407, %reduce_max3A_416 [2] : vector<16x64x128xf32> to vector<16x64xf32>
    %broadcast_in_dim3A_418 = vector.shape_cast %reduce_max3A_417 : vector<16x64xf32> to vector<16x64x1xf32>
    %eq3A_419 = vector.broadcast %broadcast_in_dim3A_418 : vector<16x64x1xf32> to vector<16x64x128xf32>
    %eq3A_420 = arith.cmpf oeq, %add3A_407, %eq3A_419 : vector<16x64x128xf32>
    %jit3A_421 = arith.constant 1.280000e+02 : f32
    %broadcast_in_dim3A_422 = vector.broadcast %jit3A_421 : f32 to vector<16x64x128xf32>
    %select_n3A_423 = arith.select %eq3A_420, %convert_element_type3A_15, %broadcast_in_dim3A_422 : vector<16x64x128xi1>, vector<16x64x128xf32>
    %reduce_min3A_424 = arith.constant dense<0x7F800000> : vector<16x64xf32>
    %reduce_min3A_425 = vector.multi_reduction <minimumf>, %select_n3A_423, %reduce_min3A_424 [2] : vector<16x64x128xf32> to vector<16x64xf32>
    %broadcast_in_dim3A_426 = vector.shape_cast %reduce_min3A_425 : vector<16x64xf32> to vector<16x64x1xf32>
    %gt3A_427 = arith.constant 5.000000e-01 : f32
    %gt3A_428 = vector.broadcast %gt3A_427 : f32 to vector<16x64x1xf32>
    %gt3A_429 = arith.cmpf ogt, %broadcast_in_dim3A_426, %gt3A_428 : vector<16x64x1xf32>
    %slice3A_430 = vector.extract_strided_slice %get3A_402 {offsets = [0, 0, 120], sizes = [16, 1, 1], strides = [1, 1, 1]} : vector<16x1x128xf32> to vector<16x1x1xf32>
    %gt3A_431 = arith.constant 5.000000e-01 : f32
    %gt3A_432 = vector.broadcast %gt3A_431 : f32 to vector<16x1x1xf32>
    %gt3A_433 = arith.cmpf ogt, %slice3A_430, %gt3A_432 : vector<16x1x1xf32>
    %sub3A_434 = arith.constant 1.000000e+00 : f32
    %sub3A_435 = vector.broadcast %sub3A_434 : f32 to vector<16x64x1xf32>
    %sub3A_436 = arith.subf %broadcast_in_dim3A_426, %sub3A_435 : vector<16x64x1xf32>
    %eq3A_437 = vector.broadcast %sub3A_436 : vector<16x64x1xf32> to vector<16x64x128xf32>
    %eq3A_438 = arith.cmpf oeq, %convert_element_type3A_15, %eq3A_437 : vector<16x64x128xf32>
    %and3A_439 = vector.broadcast %gt3A_433 : vector<16x1x1xi1> to vector<16x64x128xi1>
    %and3A_440 = arith.andi %and3A_439, %eq3A_438 : vector<16x64x128xi1>
    %gt3A_441 = arith.constant 5.000000e-01 : f32
    %gt3A_442 = vector.broadcast %gt3A_441 : f32 to vector<16x1x128xf32>
    %gt3A_443 = arith.cmpf ogt, %get3A_402, %gt3A_442 : vector<16x1x128xf32>
    %or3A_444 = vector.broadcast %gt3A_443 : vector<16x1x128xi1> to vector<16x64x128xi1>
    %or3A_445 = arith.ori %and3A_440, %or3A_444 : vector<16x64x128xi1>
    %and3A_446 = vector.broadcast %gt3A_429 : vector<16x64x1xi1> to vector<16x64x128xi1>
    %and3A_447 = arith.andi %and3A_446, %or3A_445 : vector<16x64x128xi1>
    %jit3A_448 = arith.constant 1.000000e+00 : f32
    %broadcast_in_dim3A_449 = vector.broadcast %jit3A_448 : f32 to vector<16x64x128xf32>
    %select_n3A_450 = arith.select %and3A_447, %broadcast_in_dim3A_449, %select_n3A_386 : vector<16x64x128xi1>, vector<16x64x128xf32>
    %reshape3A_451 = vector.shape_cast %select_n3A_450 : vector<16x64x128xf32> to vector<1024x128xf32>
    %dot_general3A_452 = arith.constant dense<0.000000e+00> : vector<1024x128xf32>
    %dot_general3A_453 = tpu.matmul %reshape3A_451, %get3A_14, %dot_general3A_452 {dimension_numbers = #tpu.dot_dimension_numbers<[1], [0], [0], [1], [0, 0, 1, 1], [], []>, transpose_lhs_hint = false} : vector<1024x128xf32>, vector<128x128xf32>, vector<1024x128xf32> -> vector<1024x128xf32>
    %reshape3A_454 = vector.shape_cast %dot_general3A_453 : vector<1024x128xf32> to vector<16x64x128xf32>
    %get3A_455 = arith.constant 7 : index
    %get3A_456 = arith.constant 0 : index
    %get3A_457 = arith.constant 0 : index
    %get3A_458 = arith.constant 0 : index
    %get3A_459 = vector.load %arg2[%get3A_455, %get3A_456, %get3A_457, %get3A_458] : memref<8x16x1x128xf32, #tpu.memory_space<vmem>>, vector<1x16x1x128xf32>
    %get3A_460 = vector.shape_cast %get3A_459 : vector<1x16x1x128xf32> to vector<16x1x128xf32>
    %get3A_461 = arith.constant 7 : index
    %get3A_462 = arith.constant 0 : index
    %get3A_463 = arith.constant 0 : index
    %get3A_464 = arith.constant 0 : index
    %get3A_465 = vector.load %arg3[%get3A_461, %get3A_462, %get3A_463, %get3A_464] : memref<8x16x1x128xf32, #tpu.memory_space<vmem>>, vector<1x16x1x128xf32>
    %get3A_466 = vector.shape_cast %get3A_465 : vector<1x16x1x128xf32> to vector<16x1x128xf32>
    %add3A_467 = vector.broadcast %get3A_460 : vector<16x1x128xf32> to vector<16x64x128xf32>
    %add3A_468 = arith.addf %get3A_8, %add3A_467 : vector<16x64x128xf32>
    %add3A_469 = arith.addf %add3A_468, %reshape3A_454 : vector<16x64x128xf32>
    %add3A_470 = vector.broadcast %reshape3A : vector<1x1x128xf32> to vector<16x64x128xf32>
    %add3A_471 = arith.addf %add3A_469, %add3A_470 : vector<16x64x128xf32>
    %slice3A_472 = vector.extract_strided_slice %add3A_471 {offsets = [0, 0, 0], sizes = [16, 64, 36], strides = [1, 1, 1]} : vector<16x64x128xf32> to vector<16x64x36xf32>
    %swap3A_473 = arith.constant 0 : index
    %swap3A_474 = arith.constant 7 : index
    %swap3A_475 = arith.constant 0 : index
    %swap3A_476 = arith.constant 0 : index
    %swap3A_477 = vector.load %arg6[%swap3A_473, %swap3A_474, %swap3A_475, %swap3A_476] : memref<16x8x64x36xf32, #tpu.memory_space<vmem>>, vector<16x1x64x36xf32>
    %swap3A_478 = vector.shape_cast %swap3A_477 : vector<16x1x64x36xf32> to vector<16x64x36xf32>
    %swap3A_479 = vector.shape_cast %slice3A_472 : vector<16x64x36xf32> to vector<16x1x64x36xf32>
    tpu.vector_store %arg6[%swap3A_473, %swap3A_474, %swap3A_475, %swap3A_476], %swap3A_479 {strides = array<i32>} : memref<16x8x64x36xf32, #tpu.memory_space<vmem>>, vector<16x1x64x36xf32>,
    %reduce_max3A_480 = arith.constant dense<0xFF800000> : vector<16x64xf32>
    %reduce_max3A_481 = vector.multi_reduction <maximumf>, %add3A_471, %reduce_max3A_480 [2] : vector<16x64x128xf32> to vector<16x64xf32>
    %broadcast_in_dim3A_482 = vector.shape_cast %reduce_max3A_481 : vector<16x64xf32> to vector<16x64x1xf32>
    %eq3A_483 = vector.broadcast %broadcast_in_dim3A_482 : vector<16x64x1xf32> to vector<16x64x128xf32>
    %eq3A_484 = arith.cmpf oeq, %add3A_471, %eq3A_483 : vector<16x64x128xf32>
    %jit3A_485 = arith.constant 1.280000e+02 : f32
    %broadcast_in_dim3A_486 = vector.broadcast %jit3A_485 : f32 to vector<16x64x128xf32>
    %select_n3A_487 = arith.select %eq3A_484, %convert_element_type3A_15, %broadcast_in_dim3A_486 : vector<16x64x128xi1>, vector<16x64x128xf32>
    %reduce_min3A_488 = arith.constant dense<0x7F800000> : vector<16x64xf32>
    %reduce_min3A_489 = vector.multi_reduction <minimumf>, %select_n3A_487, %reduce_min3A_488 [2] : vector<16x64x128xf32> to vector<16x64xf32>
    %broadcast_in_dim3A_490 = vector.shape_cast %reduce_min3A_489 : vector<16x64xf32> to vector<16x64x1xf32>
    %gt3A_491 = arith.constant 5.000000e-01 : f32
    %gt3A_492 = vector.broadcast %gt3A_491 : f32 to vector<16x64x1xf32>
    %gt3A_493 = arith.cmpf ogt, %broadcast_in_dim3A_490, %gt3A_492 : vector<16x64x1xf32>
    %slice3A_494 = vector.extract_strided_slice %get3A_466 {offsets = [0, 0, 120], sizes = [16, 1, 1], strides = [1, 1, 1]} : vector<16x1x128xf32> to vector<16x1x1xf32>
    %gt3A_495 = arith.constant 5.000000e-01 : f32
    %gt3A_496 = vector.broadcast %gt3A_495 : f32 to vector<16x1x1xf32>
    %gt3A_497 = arith.cmpf ogt, %slice3A_494, %gt3A_496 : vector<16x1x1xf32>
    %sub3A_498 = arith.constant 1.000000e+00 : f32
    %sub3A_499 = vector.broadcast %sub3A_498 : f32 to vector<16x64x1xf32>
    %sub3A_500 = arith.subf %broadcast_in_dim3A_490, %sub3A_499 : vector<16x64x1xf32>
    %eq3A_501 = vector.broadcast %sub3A_500 : vector<16x64x1xf32> to vector<16x64x128xf32>
    %eq3A_502 = arith.cmpf oeq, %convert_element_type3A_15, %eq3A_501 : vector<16x64x128xf32>
    %and3A_503 = vector.broadcast %gt3A_497 : vector<16x1x1xi1> to vector<16x64x128xi1>
    %and3A_504 = arith.andi %and3A_503, %eq3A_502 : vector<16x64x128xi1>
    %gt3A_505 = arith.constant 5.000000e-01 : f32
    %gt3A_506 = vector.broadcast %gt3A_505 : f32 to vector<16x1x128xf32>
    %gt3A_507 = arith.cmpf ogt, %get3A_466, %gt3A_506 : vector<16x1x128xf32>
    %or3A_508 = vector.broadcast %gt3A_507 : vector<16x1x128xi1> to vector<16x64x128xi1>
    %or3A_509 = arith.ori %and3A_504, %or3A_508 : vector<16x64x128xi1>
    %and3A_510 = vector.broadcast %gt3A_493 : vector<16x64x1xi1> to vector<16x64x128xi1>
    %and3A_511 = arith.andi %and3A_510, %or3A_509 : vector<16x64x128xi1>
    %jit3A_512 = arith.constant 1.000000e+00 : f32
    %broadcast_in_dim3A_513 = vector.broadcast %jit3A_512 : f32 to vector<16x64x128xf32>
    %select_n3A_514 = arith.select %and3A_511, %broadcast_in_dim3A_513, %select_n3A_450 : vector<16x64x128xi1>, vector<16x64x128xf32>
    %swap3A_515 = arith.constant 0 : index
    %swap3A_516 = arith.constant 0 : index
    %swap3A_517 = arith.constant 0 : index
    %swap3A_518 = vector.load %arg7[%swap3A_515, %swap3A_516, %swap3A_517] : memref<16x64x128xf32, #tpu.memory_space<vmem>>, vector<16x64x128xf32>
    tpu.vector_store %arg7[%swap3A_515, %swap3A_516, %swap3A_517], %select_n3A_514 {strides = array<i32>} : memref<16x64x128xf32, #tpu.memory_space<vmem>>, vector<16x64x128xf32>,
    return
  }
  func.func @transform_0(%arg0: i32) -> (i32, i32, i32) {
    %c0_i32 = arith.constant 0 : i32
    %c0_i32_0 = arith.constant 0 : i32
    %c0_i32_1 = arith.constant 0 : i32
    %c0_i32_2 = arith.constant 0 : i32
    return %c0_i32, %c0_i32_0, %c0_i32_1 : i32, i32, i32
  }
  func.func @transform_1(%arg0: i32) -> (i32, i32, i32, i32) {
    %c0_i32 = arith.constant 0 : i32
    %c0_i32_0 = arith.constant 0 : i32
    %c0_i32_1 = arith.constant 0 : i32
    %c0_i32_2 = arith.constant 0 : i32
    return %arg0, %c0_i32, %c0_i32_0, %c0_i32_1 : i32, i32, i32, i32
  }
  func.func @transform_2(%arg0: i32) -> (i32, i32, i32, i32) {
    %c0_i32 = arith.constant 0 : i32
    %c0_i32_0 = arith.constant 0 : i32
    %c0_i32_1 = arith.constant 0 : i32
    %c0_i32_2 = arith.constant 0 : i32
    return %arg0, %c0_i32, %c0_i32_0, %c0_i32_1 : i32, i32, i32, i32
  }
  func.func @transform_3(%arg0: i32) -> (i32, i32) {
    %c0_i32 = arith.constant 0 : i32
    %c0_i32_0 = arith.constant 0 : i32
    %c0_i32_1 = arith.constant 0 : i32
    return %c0_i32, %c0_i32_0 : i32, i32
  }
  func.func @transform_4(%arg0: i32) -> (i32, i32) {
    %c0_i32 = arith.constant 0 : i32
    %c0_i32_0 = arith.constant 0 : i32
    %c0_i32_1 = arith.constant 0 : i32
    return %c0_i32, %c0_i32_0 : i32, i32
  }
  func.func @transform_5(%arg0: i32) -> (i32, i32, i32, i32) {
    %c0_i32 = arith.constant 0 : i32
    %c0_i32_0 = arith.constant 0 : i32
    %c0_i32_1 = arith.constant 0 : i32
    %c0_i32_2 = arith.constant 0 : i32
    return %c0_i32, %arg0, %c0_i32_0, %c0_i32_1 : i32, i32, i32, i32
  }
}

</mosaic_0001>

<sc_bundles>
// kernel: kernel.5.cloned.1.call-start
scs
__scs_entry_jumppad:
0x0: {  	(pc) =	sbr.rel $0x88, $3  }
0x1: {  	(tag) =	ssettag $0x0;
	lr =	simm.s32 $0x1  }
0x2: {  	[smem:$0x3F93] =	sst lr;
	_ =	strace $0xD0000000  }
0x3: {  	_ = 	snop  }
0x4: {  	_ = 	snop  }
0x5: {  	_ = 	snop  }
0x6: {  	_ = 	snop  }
0x7: {  	_ = 	snop  }
__scs_overlays_trampoline_lowered:
0x8: {  	[smem:$0x3FA2] =	sst s0  }
0x9: {  	[smem:$0x3FA3] =	sst s1  }
0xa: {  	[smem:$0x3FA4] =	sst s2  }
0xb: {  	[smem:$0x3FA5] =	sst s3  }
0xc: {  	[smem:$0x3FA6] =	sst s4  }
0xd: {  	[smem:$0x3FA7] =	sst s5  }
0xe: {  	[smem:$0x3FA8] =	sst s6  }
0xf: {  	[smem:$0x3FA9] =	sst s7  }
0x10: {  	[smem:$0x3FAA] =	sst s8  }
0x11: {  	[smem:$0x3FAB] =	sst s9;
	s0 =	simm.s32 @!p0 $0x0  }
0x12: {  	s1 =	sld [smem:$0x3F91];
	s0 =	simm.s32 @p0 $0x1  }
0x13: {  	[smem:$0x3FAC] =	sst s0;
	s0 =	simm.s32 @!p1 $0x0  }
0x14: {  	s2 =	sld [smem:$0x3F90];
	s0 =	simm.s32 @p1 $0x1  }
0x15: {  	[smem:$0x3FAD] =	sst s0;
	s0 =	simm.s32 @!p2 $0x0  }
0x16: {  	s3 =	sld [smem:$0x3FDB];
	s0 =	simm.s32 @p2 $0x1  }
0x17: {  	s4 =	simm.s32 $0x1BF5;
	[smem:$0x3FAF] =	sst s0  }
0x18: {  	s0 =	sld [smem:$0x3F92];
	_ =	swait.ge [sflag:s4], $0x0  }
0x19: {  	s7 =	sld [smem:$0x3F93]  }
0x1a: {  	s8 =	sadd.s32 $0xFFFFE003, lr  }
0x1b: {  	s9 =	sadd.s32 $0xFFFFFEF7, lr;
	s5 =	simm.s32 $0xFFFFFFFF;
	p2 =	slt.u32 s8, $0xFFFFF086  }
0x1c: {  	p1 =	slt.u32 s9, $0xF7A;
	s5 =	simm.s32 @!p2 $0x0  }
0x1d: {  	s5 =	simm.s32 @p1 $0x1;
	p0 =	seq.s32 s7, s2  }
0x1e: {  	s7 =	smul.u32 @!p0 $0xF7A, s2;
	p2 =	seq.s32 @!p0 s5, $0x0  }
0x1f: {  	s9 =	smul.u32 $0xF7A, s1;
	s8 =	simm.s32 @!p0 $0x1BF5;
	p2 =	por !p2, p0  }
0x20: {  	[sflag:s8] =	ssyncset.s32 @!p0 $0xFFFFF086;
	s6 =	sadd.s32 @!p0 s3, s7;
	s7 =	simm.s32 @!p0 $0x108  }
0x21: {  	s3 =	sadd.s32 s3, s9;
	s6 =	sadd.s32 @!p0 $0x88, s6;
	s7 =	simm.s32 @p2 $0x1082  }
0x22: {  	[simem:s7], [sflag:s8] =	dma.local @!p0 [hbm:s6], $0xF7A  }
0x23: {  	s9 =	sor.u32 $0xD0000000, s2;
	s6 =	simm.s32 $0x108;
	_ =	swait.ge @!p0 [sflag:s8], $0x0  }
0x24: {  	s3 =	sadd.s32 $0x88, s3;
	s6 =	simm.s32 @!p1 $0x1082;
	[sflag:s4] =	ssyncset.s32 $0xFFFFF086  }
0x25: {  	[simem:s6], [sflag:s4] =	dma.local [hbm:s3], $0xF7A  }
0x26: {  	[smem:$0x3F93] =	sst s1;
	(tag) =	ssettag s2;
	_ =	strace s9  }
0x27: {  	s1 =	sld [smem:$0x3FA3]  }
0x28: {  	s2 =	sld [smem:$0x3FA4]  }
0x29: {  	s4 =	sld [smem:$0x3FA6]  }
0x2a: {  	p0 =	seq.s32 s5, $0x0;
	s5 =	sld [smem:$0x3FA7]  }
0x2b: {  	s6 =	sld [smem:$0x3FA8]  }
0x2c: {  	s7 =	sld [smem:$0x3FA9]  }
0x2d: {  	s3 =	simm.s32 $0x108;
	s8 =	sld [smem:$0x3FAA]  }
0x2e: {  	s3 =	simm.s32 @!p0 $0x1082;
	s9 =	sld [smem:$0x3FAB]  }
0x2f: {  	lr =	sadd.s32 s0, s3;
	s0 =	sld [smem:$0x3FA2]  }
0x30: {  	s3 =	sld [smem:$0x3FA5]  }
0x31: {  	[smem:$0x3FAE] =	sst s10  }
0x32: {  	s10 =	sld [smem:$0x3FAC];
	_ =	sdelay $0x3  }
0x33: {  	p0 =	seq.s32 s10, $0x1;
	s10 =	sld [smem:$0x3FAE];
	_ =	sdelay $0x3  }
0x34: {  	[smem:$0x3FAE] =	sst s10  }
0x35: {  	s10 =	sld [smem:$0x3FAD];
	_ =	sdelay $0x3  }
0x36: {  	p1 =	seq.s32 s10, $0x1;
	s10 =	sld [smem:$0x3FAE];
	_ =	sdelay $0x3  }
0x37: {  	[smem:$0x3FAE] =	sst s10  }
0x38: {  	s10 =	sld [smem:$0x3FAF]  }
0x39: {  	_ = 	snop;
	(pc) =	sbr.ind lr, $3  }
0x3a: {  	_ = 	snop  }
0x3b: {  	_ = 	snop  }
0x3c: {  	p2 =	seq.s32 s10, $0x1;
	s10 =	sld [smem:$0x3FAE]  }
0x3d: {  	_ =	shalt  }
0x3e: {  	_ =	shalt  }
0x3f: {  	_ =	shalt  }
0x40: {  	_ =	shalt  }
0x41: {  	_ =	shalt  }
0x42: {  	_ =	shalt  }
0x43: {  	_ =	shalt  }
0x44: {  	_ =	shalt  }
0x45: {  	_ =	shalt  }
0x46: {  	_ =	shalt  }
0x47: {  	_ =	shalt  }
0x48: {  	_ =	shalt  }
0x49: {  	_ =	shalt  }
0x4a: {  	_ =	shalt  }
0x4b: {  	_ =	shalt  }
0x4c: {  	_ =	shalt  }
0x4d: {  	_ =	shalt  }
0x4e: {  	_ =	shalt  }
0x4f: {  	_ =	shalt  }
0x50: {  	_ =	shalt  }
0x51: {  	_ =	shalt  }
0x52: {  	_ =	shalt  }
0x53: {  	_ =	shalt  }
0x54: {  	_ =	shalt  }
0x55: {  	_ =	shalt  }
0x56: {  	_ =	shalt  }
0x57: {  	_ =	shalt  }
0x58: {  	_ =	shalt  }
0x59: {  	_ =	shalt  }
0x5a: {  	_ =	shalt  }
0x5b: {  	_ =	shalt  }
0x5c: {  	_ =	shalt  }
0x5d: {  	_ =	shalt  }
0x5e: {  	_ =	shalt  }
0x5f: {  	_ =	shalt  }
0x60: {  	_ =	shalt  }
0x61: {  	_ =	shalt  }
0x62: {  	_ =	shalt  }
0x63: {  	_ =	shalt  }
0x64: {  	_ =	shalt  }
0x65: {  	_ =	shalt  }
0x66: {  	_ =	shalt  }
0x67: {  	_ =	shalt  }
0x68: {  	_ =	shalt  }
0x69: {  	_ =	shalt  }
0x6a: {  	_ =	shalt  }
0x6b: {  	_ =	shalt  }
0x6c: {  	_ =	shalt  }
0x6d: {  	_ =	shalt  }
0x6e: {  	_ =	shalt  }
0x6f: {  	_ =	shalt  }
0x70: {  	_ =	shalt  }
0x71: {  	_ =	shalt  }
0x72: {  	_ =	shalt  }
0x73: {  	_ =	shalt  }
0x74: {  	_ =	shalt  }
0x75: {  	_ =	shalt  }
0x76: {  	_ =	shalt  }
0x77: {  	_ =	shalt  }
0x78: {  	_ =	shalt  }
0x79: {  	_ =	shalt  }
0x7a: {  	_ =	shalt  }
0x7b: {  	_ =	shalt  }
0x7c: {  	_ =	shalt  }
0x7d: {  	_ =	shalt  }
0x7e: {  	_ =	shalt  }
0x7f: {  	_ =	shalt  }
0x80: {  	_ =	shalt  }
0x81: {  	_ =	shalt  }
0x82: {  	_ =	shalt  }
0x83: {  	_ =	shalt  }
0x84: {  	_ =	shalt  }
0x85: {  	_ =	shalt  }
0x86: {  	_ =	shalt  }
0x87: {  	_ =	shalt  }
.Lfunc_end0:
.L_simem_size_0:
called_computation_lowered:
.L_overlay_start_0:
0x88: {  	s2 =	sld [smem:$0x3FD9]  }
0x89: {  	s3 =	sld [smem:$0x3FFE];
	_ =	sdelay $0x1  }
0x8a: {  	s1 =	srdreg.scid  }
0x8b: {  	s0 =	sand.u32 $0x1, s1  }
0x8c: {  	s15 =	sshll.u32 s0, $0xA;
	s2 =	sadd.s32 s3, s2  }
0x8d: {  	s2 =	sadd.s32 s2, s15  }
0x8e: {  	[smem:$0x3FBA] =	sst s2  }
0x8f: {  	_ = 	snop  }
0x90: {  	s2 =	sld [smem:$0x3FD0];
	_ =	sdelay $0x2  }
0x91: {  	s4 =	simm.s32 $0xA;
	s5 =	simm.s32 $0x10;
	s16 =	sld [smem:$0x3FC8]  }
0x92: {  	[smem:s5], [sflag:s4] =	dma.local [hbm:s2], $0x1  }
0x93: {  	_ =	swait.eq [sflag:s4], $0x1  }
0x94: {  	[sflag:s4] =	ssyncset.done $0x0  }
0x95: {  	s17 =	sld [smem:$0x10];
	[sflag:s4] =	ssyncadd.s32 $0xFFFFFFFF  }
0x96: {  	s18 =	sld [smem:$0x11];
	(tm) =	ssettm $0x1  }
0x97: {  	s19 =	sld [smem:$0x3FFB];
	_ =	sdelay $0x3  }
0x98: {  	_ =	strace s19  }
0x99: {  	s5 =	sld [smem:$0x3FFC];
	_ =	sdelay $0x3  }
0x9a: {  	_ =	strace s5  }
0x9b: {  	s5 =	sld [smem:$0x3FFD];
	_ =	sdelay $0x3  }
0x9c: {  	_ =	strace s5  }
0x9d: {  	_ =	strace $0x8FFFFFFF  }
0x9e: {  	s20 =	sld [smem:$0x3FDB];
	_ =	sdelay $0x1  }
0x9f: {  	s6 =	simm.s32 $_scs_section_size  }
0xa0: {  	s7 =	simm.s32 $_size__tile_overlayer_lowered;
	s8 =	simm.s32 $_tile_overlayer_lowered  }
0xa1: {  	s23 =	simm.s32 $0x1BFF;
	s22 =	sshll.u32 s8, $0x1;
	s5 =	sadd.s32 s6, s20  }
0xa2: {  	s9 =	simm.s32 $0x0;
	s21 =	sshll.u32 s7, $0x1;
	s7 =	sadd.s32 s22, s5  }
0xa3: {  	[timem:s9], [sflag:s23] =	dma.local [hbm:s7], s21  }
0xa4: {  	_ =	swait.ge [sflag:s23], s21  }
0xa5: {  	s6 =	ssub.s32 $0x0, s21;
	[sflag:s23] =	ssyncset.done $0x0  }
0xa6: {  	[sflag:s23] =	ssyncadd.s32 s6;
	_ =	sdelay $0x1  }
0xa7: {  	s24 =	simm.s32 $0x1B8B  }
0xa8: {  	_ =	swait.ge [sflag:s24], $0x1  }
0xa9: {  	[sflag:s24] =	ssyncset.done $0x0  }
0xaa: {  	s25 =	simm.s32 $0x1B8E;
	[sflag:s24] =	ssyncadd.s32 $0xFFFFFFFF  }
0xab: {  	s26 =	simm.s32 $execute0_lowered;
	[smem:$0x3FD2] =	sst s25  }
0xac: {  	s6 =	sshll.u32 s26, $0x1;
	_ =	strace $0x80000046;
	[dreg:$0x1] =	wrdreg $0xFFFFFFFF  }
0xad: {  	s28 =	simm.s32 $_size_execute0_lowered;
	s5 =	sadd.s32 s5, s6;
	[dreg:$0x0] =	wrdreg $0x0  }
0xae: {  	s6 =	sshll.u32 s28, $0x1;
	[dreg:$0x2] =	wrdreg s5  }
0xaf: {  	[dreg:$0x3] =	wrdreg s6  }
0xb0: {  	[dreg:$0x4] =	wrdreg $0xC0  }
0xb1: {  	_ =	task [dreg:s9], $0x5FFFF  }
0xb2: {  	[dreg:$0x1] =	wrdreg $0xFFFFFFFF  }
0xb3: {  	[dreg:$0x0] =	wrdreg $0x60  }
0xb4: {  	[dreg:$0x2] =	wrdreg s16  }
0xb5: {  	[dreg:$0x3] =	wrdreg s17  }
0xb6: {  	[dreg:$0x4] =	wrdreg s18  }
0xb7: {  	[dreg:$0x5] =	wrdreg $0x9  }
0xb8: {  	_ =	task.clear_ibuf [dreg:s9], $0x6FFFF;
	_ =	strace $0x90000046  }
0xb9: {  	s29 =	simm.s32 $0x9;
	_ =	strace $0x80000048  }
0xba: {  	_ =	swait.ge [sflag:s29], $0x1  }
0xbb: {  	[sflag:s29] =	ssyncadd.s32 $0xFFFFFFFF  }
0xbc: {  	_ =	strace $0x90000048  }
0xbd: {  	_ =	sfence  }
0xbe: {  	s30 =	sld [smem:$0x0];
	_ =	sdelay $0x2  }
0xbf: {  	s31 =	sshll.u32 s1, $0xD;
	s1 =	sshrl.u32 s1, $0x2  }
0xc0: {  	s3 =	sand.u32 $0x4000, s31;
	s1 =	sadd.s32 s1, s30  }
0xc1: {  	s0 =	sor.u32 s3, s0;
	s1 =	sshll.u32 s1, $0x11  }
0xc2: {  	s0 =	sor.u32 s1, s0  }
0xc3: {  	s0 =	sadd.s32 $0x8F2B, s0  }
0xc4: {  	[sflag:s0] =	ssyncadd.remote.s32 $0x1  }
0xc5: {  	_ =	sfence.sel $0xFFFF  }
0xc6: {  	[dreg:$0x0] =	wrdreg $0xFFFFFFFF;
	(pc) =	sbr.abs _section_cstart, $3  }
0xc7: {  	[dreg:$0x1] =	wrdreg $0xFFFFFFFF  }
0xc8: {  	_ =	task.clear_ibuf [dreg:s9], $0x2FFFF;
	_ =	strace $0x9FFFFFFF  }
0xc9: {  	(tm) =	ssettm $0x7FFFFFFF  }
tec
execute0_lowered:
.L_overlay_start_1:
0x0: {  	(tag) =	ssettag $0x1  }
0x1: {  	s1 =	rddreg [dreg:$0x0]  }
0x2: {  	s2 =	srdreg.scid;
	s4 =	rddreg [dreg:$0x1]  }
0x3: {  	s0 =	stileid.u32;
	s9 =	rddreg [dreg:$0x2];
	s6 =	sand.u32 $0x1, s2  }
0x4: {  	s3 =	simm.s32 $0x0;
	s5 =	sshll.u32 s0, $0x6;
	s7 =	sshll.u32 s6, $0x5  }
0x5: {  	[smem:$0x7FF] =	sst s3;
	s10 =	sor.u32 s7, s5  }
0x6: {  	s2 =	rddreg [dreg:$0x3];
	_ =	strace $0x80000047;
	s5 =	sshrl.u32 s10, $0x3  }
0x7: {  	s11 =	ssub.s32 $0x2, s6;
	s5 =	sadd.s32 s4, s5;
	s4 =	simm.s32 $0x2  }
0x8: {  	[tilespmem:s3], [sflag:$0x2] =	stream.linear.gather [hbm4b:s5+s3], $0x20, $0x38;
	[tilespmem:$0x1080] =	vst v63  }
0x9: {  	s8 =	simm.s32 $0x1;
	s12 =	sshrl.u32 s11, $0x1;
	_ =	swait.ge [sflag:s4], $0x20  }
0xa: {  	s6 =	simm.s32 $0x20;
	s11 =	ssub.s32 s11, s12;
	[sflag:s4] =	ssyncset.done $0x0  }
0xb: {  	s7 =	simm.s32 $0x80;
	s31 =	smax.u32 s11, $0x1;
	[sflag:s4] =	ssyncadd.s32 $0xFFFFFFE0  }
0xc: {  	[tilespmem:s7], [sflag:$0x1] =	stream.indirect.gather [hbm4b:s1+s6], $0x80, s3, s6, $0xb8;
	[tilespmem:$0x1080] =	vst v63  }
0xd: {  	p0 =	sne.s32 s31, $0x1;
	_ =	swait.ge [sflag:s8], $0x1000  }
.Ltmp0:
0xe: {  	s10 =	sshll.u32 s10, $0x4;
	[sflag:s8] =	ssyncset.done $0x0;
	(pc) =	sbr.rel @!p0 .LBB2_2-.Ltmp0, $4  }
0xf: {  	s9 =	sadd.s32 s9, s10;
	[sflag:s8] =	ssyncadd.s32 $0xFFFFF000  }
0x10: {  	[hbm4b:s9+s3] =	stream.linear.scatter [tilespmem:s7], [sflag:$0x2], $0x1000, $0x38;
	[tilespmem:$0x1080] =	vst v63  }
0x11: {  	_ =	swait.ge [sflag:s4], $0x1000  }
0x12: {  	s10 =	sadd.s32 $0xFFFFFFFF, s31;
	[sflag:s4] =	ssyncset.done $0x0  }
.LBB2_1:
0x13: {  	p0 =	sne.s32 s10, $0x1;
	s10 =	sadd.s32 $0xFFFFFFFF, s10;
	[sflag:s4] =	ssyncadd.s32 $0xFFFFF000  }
0x14: {  	[tilespmem:s3], [sflag:$0x2] =	stream.linear.gather [hbm4b:s5+s3], $0x20, $0x38;
	[tilespmem:$0x1080] =	vst v63  }
0x15: {  	_ =	swait.ge [sflag:s4], $0x20  }
0x16: {  	[sflag:s4] =	ssyncset.done $0x0  }
0x17: {  	[sflag:s4] =	ssyncadd.s32 $0xFFFFFFE0  }
0x18: {  	[tilespmem:s7], [sflag:$0x1] =	stream.indirect.gather [hbm4b:s1+s6], $0x80, s3, s6, $0xb8;
	[tilespmem:$0x1080] =	vst v63  }
0x19: {  	_ =	swait.ge [sflag:s8], $0x1000  }
.Ltmp1:
0x1a: {  	[sflag:s8] =	ssyncset.done $0x0;
	(pc) =	sbr.rel @p0 .LBB2_1-.Ltmp1, $4  }
0x1b: {  	[sflag:s8] =	ssyncadd.s32 $0xFFFFF000  }
0x1c: {  	[hbm4b:s9+s3] =	stream.linear.scatter [tilespmem:s7], [sflag:$0x2], $0x1000, $0x38;
	[tilespmem:$0x1080] =	vst v63  }
0x1d: {  	_ =	swait.ge [sflag:s4], $0x1000  }
0x1e: {  	[sflag:s4] =	ssyncset.done $0x0  }
.LBB2_2:
0x1f: {  	[sflag:s4] =	ssyncadd.s32 $0xFFFFF000  }
0x20: {  	_ =	sfence.sel $0x180000  }
0x21: {  	[bflag:$0x0] =	sbarrier.arrive $0xFFFF  }
0x22: {  	p0 =	sne.s32 s0, $0x0;
	_ =	strace $0x90000047  }
0x23: {  	s0 =	sadd.s32 @!p0 $0x100000, s2;
	[bflag:$0x2] =	sbarrier.arrive $0xFFFF  }
0x24: {  	[sflag:s0] =	ssyncadd.tile.s32 @!p0 $0x1;
	_ =	shalt  }
.Lfunc_end2:
_tile_overlayer_lowered:
.L_overlay_start_2:
0x25: {  	(tag) =	ssettag $0x2  }
0x26: {  	s0 =	rddreg [dreg:$0x0];
	s2 =	stileid.u32  }
0x27: {  	s1 =	rddreg [dreg:$0x1];
	p0 =	sne.s32 s2, $0x0  }
0x28: {  	s3 =	rddreg [dreg:$0x2];
	[bflag:$0x3] =	sbarrier.arrive $0xFFFF;
	s2 =	simm.s32 @!p0 $0x1C02  }
0x29: {  	[timem:s3], [sflag:s2] =	dma.local @!p0 [hbm:s0], s1  }
0x2a: {  	s0 =	simm.s32 @!p0 $0x2  }
0x2b: {  	_ =	swait.ge @!p0 [sflag:s0], s1  }
0x2c: {  	s1 =	ssub.s32 @!p0 $0x0, s1;
	[sflag:s0] =	ssyncset.done @!p0 $0x0  }
0x2d: {  	[sflag:s0] =	ssyncadd.s32 @!p0 s1  }
0x2e: {  	[bflag:$0x3] =	sbarrier.arrive $0xFFFF  }
0x2f: {  	_ =	shalt  }

</sc_bundles>
